<compile_context>
chip_gen: v7x
topology: tpu7x:2x2x1
jax: 0.10.2.dev20260603
libtpu: 0.0.44.dev20260713+nightly
codegen_flags: <defaults>
</compile_context>

<pallas_src>
import jax
import jax.numpy as jnp
from jax import lax
from jax.experimental import pallas as pl
from jax.experimental.pallas import tpu as pltpu
from jax.experimental.pallas import tpu_sc as plsc

_E = 16
_BT = 2048
_NC = 2
_NS = 16
_NW = _NC * _NS
_L = 16


def _logits_block(x_ref, w1_ref, b1_ref, w2_ref, b2_ref, logits_ref, ori_ref):
    h = jnp.maximum(
        jnp.dot(x_ref[...], w1_ref[...],
                preferred_element_type=jnp.float32) + b1_ref[...],
        0.0)
    logits = jnp.dot(
        h, w2_ref[...], preferred_element_type=jnp.float32) + b2_ref[...]
    logits_ref[...] = logits
    m1 = jnp.max(logits, axis=1, keepdims=True)
    e = jnp.exp((logits - m1) * 100.0)
    ori_ref[...] = e / jnp.sum(e, axis=1, keepdims=True)


def _tc_logits(x, W1, b1r, W2, b2r):
    tokens, input_dim = x.shape
    hidden = W1.shape[1]
    return pl.pallas_call(
        _logits_block,
        grid=(tokens // _BT,),
        in_specs=[
            pl.BlockSpec((_BT, input_dim), lambda i: (i, 0)),
            pl.BlockSpec((input_dim, hidden), lambda i: (0, 0)),
            pl.BlockSpec((1, hidden), lambda i: (0, 0)),
            pl.BlockSpec((hidden, _E), lambda i: (0, 0)),
            pl.BlockSpec((1, _E), lambda i: (0, 0)),
        ],
        out_specs=(pl.BlockSpec((_BT, _E), lambda i: (i, 0)),
                   pl.BlockSpec((_BT, _E), lambda i: (i, 0))),
        out_shape=(jax.ShapeDtypeStruct((tokens, _E), jnp.float32),
                   jax.ShapeDtypeStruct((tokens, _E), jnp.float32)),
    )(x, W1, b1r, W2, b2r)


def _sc_routing_body(logits_hbm, router_hbm, idx_hbm,
                     lg_v, rt_v, idx_v):
    n = lg_v.shape[0]
    rows_per_w = n // _E
    wid = lax.axis_index("s") * _NC + lax.axis_index("c")
    base = pl.multiple_of(wid * n, n)
    pltpu.sync_copy(logits_hbm.at[pl.ds(base, n)], lg_v)

    lane = lax.broadcasted_iota(jnp.int32, (_L,), 0)
    neg_inf = jnp.full((_L,), -jnp.inf, dtype=jnp.float32)
    zero = jnp.zeros((_L,), dtype=jnp.float32)
    cols = [jnp.full((_L,), e, dtype=jnp.int32) for e in range(_E)]

    def tile_body(t, carry):
        rows = t * _L + lane
        rx16 = rows * _E
        gidx = [rx16 + e for e in range(_E)]
        g = [plsc.load_gather(lg_v, (gidx[e],)) for e in range(_E)]

        m1 = g[0]
        for e in range(1, _E):
            m1 = jnp.maximum(m1, g[e])
        i1 = jnp.full((_L,), _E, dtype=jnp.int32)
        for e in range(_E - 1, -1, -1):
            i1 = jnp.where(g[e] == m1, cols[e], i1)
        gm = [jnp.where(i1 == e, neg_inf, g[e]) for e in range(_E)]
        m2 = gm[0]
        for e in range(1, _E):
            m2 = jnp.maximum(m2, gm[e])
        i2 = jnp.full((_L,), _E, dtype=jnp.int32)
        for e in range(_E - 1, -1, -1):
            i2 = jnp.where(gm[e] == m2, cols[e], i2)

        rx2 = rows * 2
        plsc.store_scatter(idx_v, (rx2,), i1)
        plsc.store_scatter(idx_v, (rx2 + 1,), i2)

        for j in range(_L):
            off = pl.multiple_of(t * (_L * _E) + j * _L, _L)
            rt_v[pl.ds(off, _L)] = zero
        p2 = jnp.exp(m2 - m1)
        den = 1.0 + p2
        plsc.store_scatter(rt_v, (rx16 + i1,), 1.0 / den)
        plsc.store_scatter(rt_v, (rx16 + i2,), p2 / den)
        return carry

    lax.fori_loop(0, rows_per_w // _L, tile_body, 0)

    pltpu.sync_copy(rt_v, router_hbm.at[pl.ds(base, n)])
    base2 = pl.multiple_of(wid * (n * 2 // _E), n * 2 // _E)
    pltpu.sync_copy(idx_v, idx_hbm.at[pl.ds(base2, n * 2 // _E)])


def _sc_routing(logits):
    tokens = logits.shape[0]
    rows_per_w = tokens // _NW
    n = rows_per_w * _E
    mesh = plsc.VectorSubcoreMesh(
        core_axis_name="c", subcore_axis_name="s",
        num_cores=_NC, num_subcores=_NS)
    f = pl.kernel(
        _sc_routing_body,
        out_type=(
            jax.ShapeDtypeStruct((tokens * _E,), jnp.float32),
            jax.ShapeDtypeStruct((tokens * 2,), jnp.int32),
        ),
        mesh=mesh,
        compiler_params=pltpu.CompilerParams(needs_layout_passes=False),
        scratch_types=[
            pltpu.VMEM((n,), jnp.float32),
            pltpu.VMEM((n,), jnp.float32),
            pltpu.VMEM((rows_per_w * 2,), jnp.int32),
        ],
    )
    rt_f, idx_f = f(logits.reshape(-1))
    return (rt_f.reshape(tokens, _E), idx_f.reshape(tokens, 2))


def kernel(x, W1, b1, W2, b2):
    hidden = W1.shape[1]
    b1r = b1.reshape(1, hidden)
    b2r = b2.reshape(1, _E)
    logits, ori = _tc_logits(x, W1, b1r, W2, b2r)
    router, idx = _sc_routing(logits)
    return (ori, router, idx)

# --- scband reference (transcript-rebuilt; emitter-appended) ---
"""Pipeline reference for scband-topk-router-17136919511683 (READ-ONLY COPY).

The authoritative reference and input builder live on the scoring server;
editing this copy changes nothing except your own understanding.
"""

import jax, jax.numpy as jnp
import numpy as np

TOP_K = 2

def setup_inputs(seed: int = 0) -> dict:
    key = jax.random.key(seed)
    ks = jax.random.split(key, 5)
    input_dim = 1024
    hidden = 2 * input_dim
    num_experts = 16
    tokens = 8192
    x = jax.random.normal(ks[0], (tokens, input_dim), dtype=jnp.float32)
    s1 = 1.0 / np.sqrt(input_dim)
    W1 = jax.random.uniform(ks[1], (input_dim, hidden), minval=-s1, maxval=s1, dtype=jnp.float32)
    b1 = jax.random.uniform(ks[2], (hidden,), minval=-s1, maxval=s1, dtype=jnp.float32)
    s2 = 1.0 / np.sqrt(hidden)
    W2 = jax.random.uniform(ks[3], (hidden, num_experts), minval=-s2, maxval=s2, dtype=jnp.float32)
    b2 = jax.random.uniform(ks[4], (num_experts,), minval=-s2, maxval=s2, dtype=jnp.float32)
    return {"x": x, "W1": W1, "b1": b1, "W2": W2, "b2": b2}

def reference(x, W1, b1, W2, b2):
    h = jax.nn.relu(x @ W1 + b1)
    logits = h @ W2 + b2
    top_k_logits, indices = jax.lax.top_k(logits, TOP_K)
    rows = jnp.arange(logits.shape[0])[:, None]
    sparse_logits = jnp.full_like(logits, -jnp.inf).at[rows, indices].set(top_k_logits)
    router_output = jax.nn.softmax(sparse_logits, axis=-1)
    ori_router_output = jax.nn.softmax(logits / 0.01, axis=-1)
    return (ori_router_output, router_output, indices)

if __name__ == "__main__":
    import jax
    _d = setup_inputs()
    print(jax.jit(kernel)(*tuple(_d.values())))

</pallas_src>

<mosaic_0001>
#map = affine_map<(d0, d1) -> (0)>
module attributes {stable_mosaic.version = 14 : i64} {
  func.func @_sc_routing_body(%arg0: i32, %arg1: i32, %arg2: memref<131072xf32, #tpu.memory_space<hbm>>, %arg3: memref<131072xf32, #tpu.memory_space<hbm>>, %arg4: memref<16384xi32, #tpu.memory_space<hbm>>, %arg5: memref<4096xf32, #tpu.memory_space<vmem>>, %arg6: memref<4096xf32, #tpu.memory_space<vmem>>, %arg7: memref<512xi32, #tpu.memory_space<vmem>>) attributes {dimension_semantics = [#tpu.dimension_semantics<core_parallel>, #tpu.dimension_semantics<subcore_parallel>], iteration_bounds = array<i64: 2, 16>, scalar_prefetch = 0 : i64, scratch_operands = 3 : i64, tpu.core_type = #tpu.core_type<sc_vector_subcore>, window_params = [{transform_indices = #map}, {transform_indices = #map}, {transform_indices = #map}]} {
    %mul3A = arith.constant 2 : i32
    %mul3A_0 = arith.muli %arg1, %mul3A : i32
    %add3A = arith.addi %mul3A_0, %arg0 : i32
    %mul3A_1 = arith.constant 4096 : i32
    %mul3A_2 = arith.muli %add3A, %mul3A_1 : i32
    %multiple_of3A = tpu.assume_multiple %mul3A_2, 4096 : i32
    "tpu.region"() ({
      %run_scoped3A = tpu.sem_alloc : memref<!tpu.dma_semaphore, #tpu.memory_space<semaphore_mem>>
      %dma_start3A = tpu.memref_slice %arg2[%multiple_of3A] : memref<131072xf32, #tpu.memory_space<hbm>> -> memref<4096xf32, #tpu.memory_space<hbm>>
      %dma_start3A_46 = tpu.memref_slice %arg2[%multiple_of3A] : memref<131072xf32, #tpu.memory_space<hbm>> -> memref<4096xf32, #tpu.memory_space<hbm>>
      tpu.enqueue_dma source(%dma_start3A_46 : memref<4096xf32, #tpu.memory_space<hbm>>) target(%arg5 : memref<4096xf32, #tpu.memory_space<vmem>>) target_semaphore(%run_scoped3A : memref<!tpu.dma_semaphore, #tpu.memory_space<semaphore_mem>>)
      %dma_wait3A = tpu.memref_slice %arg2[%multiple_of3A] : memref<131072xf32, #tpu.memory_space<hbm>> -> memref<4096xf32, #tpu.memory_space<hbm>>
      %dma_wait3A_47 = tpu.memref_slice %arg2[%multiple_of3A] : memref<131072xf32, #tpu.memory_space<hbm>> -> memref<4096xf32, #tpu.memory_space<hbm>>
      tpu.wait_dma2 semaphore(%run_scoped3A : memref<!tpu.dma_semaphore, #tpu.memory_space<semaphore_mem>>) src(%dma_wait3A_47 : memref<4096xf32, #tpu.memory_space<hbm>>) dst(%arg5 : memref<4096xf32, #tpu.memory_space<vmem>>)
      tpu.yield
    }) : () -> ()
    %iota3A = tpu.iota {dimensions = array<i32: 0>} : vector<16xi32>
    %broadcast_in_dim3A = arith.constant 0xFF800000 : f32
    %broadcast_in_dim3A_3 = vector.broadcast %broadcast_in_dim3A : f32 to vector<16xf32>
    %broadcast_in_dim3A_4 = arith.constant 0.000000e+00 : f32
    %broadcast_in_dim3A_5 = vector.broadcast %broadcast_in_dim3A_4 : f32 to vector<16xf32>
    %broadcast_in_dim3A_6 = arith.constant 0 : i32
    %broadcast_in_dim3A_7 = vector.broadcast %broadcast_in_dim3A_6 : i32 to vector<16xi32>
    %broadcast_in_dim3A_8 = arith.constant 1 : i32
    %broadcast_in_dim3A_9 = vector.broadcast %broadcast_in_dim3A_8 : i32 to vector<16xi32>
    %broadcast_in_dim3A_10 = arith.constant 2 : i32
    %broadcast_in_dim3A_11 = vector.broadcast %broadcast_in_dim3A_10 : i32 to vector<16xi32>
    %broadcast_in_dim3A_12 = arith.constant 3 : i32
    %broadcast_in_dim3A_13 = vector.broadcast %broadcast_in_dim3A_12 : i32 to vector<16xi32>
    %broadcast_in_dim3A_14 = arith.constant 4 : i32
    %broadcast_in_dim3A_15 = vector.broadcast %broadcast_in_dim3A_14 : i32 to vector<16xi32>
    %broadcast_in_dim3A_16 = arith.constant 5 : i32
    %broadcast_in_dim3A_17 = vector.broadcast %broadcast_in_dim3A_16 : i32 to vector<16xi32>
    %broadcast_in_dim3A_18 = arith.constant 6 : i32
    %broadcast_in_dim3A_19 = vector.broadcast %broadcast_in_dim3A_18 : i32 to vector<16xi32>
    %broadcast_in_dim3A_20 = arith.constant 7 : i32
    %broadcast_in_dim3A_21 = vector.broadcast %broadcast_in_dim3A_20 : i32 to vector<16xi32>
    %broadcast_in_dim3A_22 = arith.constant 8 : i32
    %broadcast_in_dim3A_23 = vector.broadcast %broadcast_in_dim3A_22 : i32 to vector<16xi32>
    %broadcast_in_dim3A_24 = arith.constant 9 : i32
    %broadcast_in_dim3A_25 = vector.broadcast %broadcast_in_dim3A_24 : i32 to vector<16xi32>
    %broadcast_in_dim3A_26 = arith.constant 10 : i32
    %broadcast_in_dim3A_27 = vector.broadcast %broadcast_in_dim3A_26 : i32 to vector<16xi32>
    %broadcast_in_dim3A_28 = arith.constant 11 : i32
    %broadcast_in_dim3A_29 = vector.broadcast %broadcast_in_dim3A_28 : i32 to vector<16xi32>
    %broadcast_in_dim3A_30 = arith.constant 12 : i32
    %broadcast_in_dim3A_31 = vector.broadcast %broadcast_in_dim3A_30 : i32 to vector<16xi32>
    %broadcast_in_dim3A_32 = arith.constant 13 : i32
    %broadcast_in_dim3A_33 = vector.broadcast %broadcast_in_dim3A_32 : i32 to vector<16xi32>
    %broadcast_in_dim3A_34 = arith.constant 14 : i32
    %broadcast_in_dim3A_35 = vector.broadcast %broadcast_in_dim3A_34 : i32 to vector<16xi32>
    %broadcast_in_dim3A_36 = arith.constant 15 : i32
    %broadcast_in_dim3A_37 = vector.broadcast %broadcast_in_dim3A_36 : i32 to vector<16xi32>
    %scan3A = arith.constant 0 : i32
    %scan3A_38 = arith.constant 0 : i32
    %scan3A_39 = arith.constant 16 : i32
    %scan3A_40 = arith.addi %scan3A_38, %scan3A_39 : i32
    %scan3A_41 = arith.constant 1 : i32
    scf.for %scan3A_46 = %scan3A_38 to %scan3A_40 step %scan3A_41  : i32 {
      %mul3A_47 = arith.constant 16 : i32
      %mul3A_48 = arith.muli %scan3A_46, %mul3A_47 : i32
      %add3A_49 = vector.broadcast %mul3A_48 : i32 to vector<16xi32>
      %add3A_50 = arith.addi %add3A_49, %iota3A : vector<16xi32>
      %mul3A_51 = arith.constant 16 : i32
      %mul3A_52 = vector.broadcast %mul3A_51 : i32 to vector<16xi32>
      %mul3A_53 = arith.muli %add3A_50, %mul3A_52 : vector<16xi32>
      %add3A_54 = arith.constant 0 : i32
      %add3A_55 = vector.broadcast %add3A_54 : i32 to vector<16xi32>
      %add3A_56 = arith.addi %mul3A_53, %add3A_55 : vector<16xi32>
      %add3A_57 = arith.constant 1 : i32
      %add3A_58 = vector.broadcast %add3A_57 : i32 to vector<16xi32>
      %add3A_59 = arith.addi %mul3A_53, %add3A_58 : vector<16xi32>
      %add3A_60 = arith.constant 2 : i32
      %add3A_61 = vector.broadcast %add3A_60 : i32 to vector<16xi32>
      %add3A_62 = arith.addi %mul3A_53, %add3A_61 : vector<16xi32>
      %add3A_63 = arith.constant 3 : i32
      %add3A_64 = vector.broadcast %add3A_63 : i32 to vector<16xi32>
      %add3A_65 = arith.addi %mul3A_53, %add3A_64 : vector<16xi32>
      %add3A_66 = arith.constant 4 : i32
      %add3A_67 = vector.broadcast %add3A_66 : i32 to vector<16xi32>
      %add3A_68 = arith.addi %mul3A_53, %add3A_67 : vector<16xi32>
      %add3A_69 = arith.constant 5 : i32
      %add3A_70 = vector.broadcast %add3A_69 : i32 to vector<16xi32>
      %add3A_71 = arith.addi %mul3A_53, %add3A_70 : vector<16xi32>
      %add3A_72 = arith.constant 6 : i32
      %add3A_73 = vector.broadcast %add3A_72 : i32 to vector<16xi32>
      %add3A_74 = arith.addi %mul3A_53, %add3A_73 : vector<16xi32>
      %add3A_75 = arith.constant 7 : i32
      %add3A_76 = vector.broadcast %add3A_75 : i32 to vector<16xi32>
      %add3A_77 = arith.addi %mul3A_53, %add3A_76 : vector<16xi32>
      %add3A_78 = arith.constant 8 : i32
      %add3A_79 = vector.broadcast %add3A_78 : i32 to vector<16xi32>
      %add3A_80 = arith.addi %mul3A_53, %add3A_79 : vector<16xi32>
      %add3A_81 = arith.constant 9 : i32
      %add3A_82 = vector.broadcast %add3A_81 : i32 to vector<16xi32>
      %add3A_83 = arith.addi %mul3A_53, %add3A_82 : vector<16xi32>
      %add3A_84 = arith.constant 10 : i32
      %add3A_85 = vector.broadcast %add3A_84 : i32 to vector<16xi32>
      %add3A_86 = arith.addi %mul3A_53, %add3A_85 : vector<16xi32>
      %add3A_87 = arith.constant 11 : i32
      %add3A_88 = vector.broadcast %add3A_87 : i32 to vector<16xi32>
      %add3A_89 = arith.addi %mul3A_53, %add3A_88 : vector<16xi32>
      %add3A_90 = arith.constant 12 : i32
      %add3A_91 = vector.broadcast %add3A_90 : i32 to vector<16xi32>
      %add3A_92 = arith.addi %mul3A_53, %add3A_91 : vector<16xi32>
      %add3A_93 = arith.constant 13 : i32
      %add3A_94 = vector.broadcast %add3A_93 : i32 to vector<16xi32>
      %add3A_95 = arith.addi %mul3A_53, %add3A_94 : vector<16xi32>
      %add3A_96 = arith.constant 14 : i32
      %add3A_97 = vector.broadcast %add3A_96 : i32 to vector<16xi32>
      %add3A_98 = arith.addi %mul3A_53, %add3A_97 : vector<16xi32>
      %add3A_99 = arith.constant 15 : i32
      %add3A_100 = vector.broadcast %add3A_99 : i32 to vector<16xi32>
      %add3A_101 = arith.addi %mul3A_53, %add3A_100 : vector<16xi32>
      %gather3A = tpu.vector_load_idx %arg5[%add3A_56] : memref<4096xf32, #tpu.memory_space<vmem>>[vector<16xi32>], vector<16xf32>,
      %gather3A_102 = tpu.vector_load_idx %arg5[%add3A_59] : memref<4096xf32, #tpu.memory_space<vmem>>[vector<16xi32>], vector<16xf32>,
      %gather3A_103 = tpu.vector_load_idx %arg5[%add3A_62] : memref<4096xf32, #tpu.memory_space<vmem>>[vector<16xi32>], vector<16xf32>,
      %gather3A_104 = tpu.vector_load_idx %arg5[%add3A_65] : memref<4096xf32, #tpu.memory_space<vmem>>[vector<16xi32>], vector<16xf32>,
      %gather3A_105 = tpu.vector_load_idx %arg5[%add3A_68] : memref<4096xf32, #tpu.memory_space<vmem>>[vector<16xi32>], vector<16xf32>,
      %gather3A_106 = tpu.vector_load_idx %arg5[%add3A_71] : memref<4096xf32, #tpu.memory_space<vmem>>[vector<16xi32>], vector<16xf32>,
      %gather3A_107 = tpu.vector_load_idx %arg5[%add3A_74] : memref<4096xf32, #tpu.memory_space<vmem>>[vector<16xi32>], vector<16xf32>,
      %gather3A_108 = tpu.vector_load_idx %arg5[%add3A_77] : memref<4096xf32, #tpu.memory_space<vmem>>[vector<16xi32>], vector<16xf32>,
      %gather3A_109 = tpu.vector_load_idx %arg5[%add3A_80] : memref<4096xf32, #tpu.memory_space<vmem>>[vector<16xi32>], vector<16xf32>,
      %gather3A_110 = tpu.vector_load_idx %arg5[%add3A_83] : memref<4096xf32, #tpu.memory_space<vmem>>[vector<16xi32>], vector<16xf32>,
      %gather3A_111 = tpu.vector_load_idx %arg5[%add3A_86] : memref<4096xf32, #tpu.memory_space<vmem>>[vector<16xi32>], vector<16xf32>,
      %gather3A_112 = tpu.vector_load_idx %arg5[%add3A_89] : memref<4096xf32, #tpu.memory_space<vmem>>[vector<16xi32>], vector<16xf32>,
      %gather3A_113 = tpu.vector_load_idx %arg5[%add3A_92] : memref<4096xf32, #tpu.memory_space<vmem>>[vector<16xi32>], vector<16xf32>,
      %gather3A_114 = tpu.vector_load_idx %arg5[%add3A_95] : memref<4096xf32, #tpu.memory_space<vmem>>[vector<16xi32>], vector<16xf32>,
      %gather3A_115 = tpu.vector_load_idx %arg5[%add3A_98] : memref<4096xf32, #tpu.memory_space<vmem>>[vector<16xi32>], vector<16xf32>,
      %gather3A_116 = tpu.vector_load_idx %arg5[%add3A_101] : memref<4096xf32, #tpu.memory_space<vmem>>[vector<16xi32>], vector<16xf32>,
      %max3A = arith.maximumf %gather3A, %gather3A_102 : vector<16xf32>
      %max3A_117 = arith.maximumf %max3A, %gather3A_103 : vector<16xf32>
      %max3A_118 = arith.maximumf %max3A_117, %gather3A_104 : vector<16xf32>
      %max3A_119 = arith.maximumf %max3A_118, %gather3A_105 : vector<16xf32>
      %max3A_120 = arith.maximumf %max3A_119, %gather3A_106 : vector<16xf32>
      %max3A_121 = arith.maximumf %max3A_120, %gather3A_107 : vector<16xf32>
      %max3A_122 = arith.maximumf %max3A_121, %gather3A_108 : vector<16xf32>
      %max3A_123 = arith.maximumf %max3A_122, %gather3A_109 : vector<16xf32>
      %max3A_124 = arith.maximumf %max3A_123, %gather3A_110 : vector<16xf32>
      %max3A_125 = arith.maximumf %max3A_124, %gather3A_111 : vector<16xf32>
      %max3A_126 = arith.maximumf %max3A_125, %gather3A_112 : vector<16xf32>
      %max3A_127 = arith.maximumf %max3A_126, %gather3A_113 : vector<16xf32>
      %max3A_128 = arith.maximumf %max3A_127, %gather3A_114 : vector<16xf32>
      %max3A_129 = arith.maximumf %max3A_128, %gather3A_115 : vector<16xf32>
      %max3A_130 = arith.maximumf %max3A_129, %gather3A_116 : vector<16xf32>
      %broadcast_in_dim3A_131 = arith.constant 16 : i32
      %broadcast_in_dim3A_132 = vector.broadcast %broadcast_in_dim3A_131 : i32 to vector<16xi32>
      %eq3A = arith.cmpf oeq, %gather3A_116, %max3A_130 : vector<16xf32>
      %select_n3A = arith.select %eq3A, %broadcast_in_dim3A_37, %broadcast_in_dim3A_132 : vector<16xi1>, vector<16xi32>
      %eq3A_133 = arith.cmpf oeq, %gather3A_115, %max3A_130 : vector<16xf32>
      %select_n3A_134 = arith.select %eq3A_133, %broadcast_in_dim3A_35, %select_n3A : vector<16xi1>, vector<16xi32>
      %eq3A_135 = arith.cmpf oeq, %gather3A_114, %max3A_130 : vector<16xf32>
      %select_n3A_136 = arith.select %eq3A_135, %broadcast_in_dim3A_33, %select_n3A_134 : vector<16xi1>, vector<16xi32>
      %eq3A_137 = arith.cmpf oeq, %gather3A_113, %max3A_130 : vector<16xf32>
      %select_n3A_138 = arith.select %eq3A_137, %broadcast_in_dim3A_31, %select_n3A_136 : vector<16xi1>, vector<16xi32>
      %eq3A_139 = arith.cmpf oeq, %gather3A_112, %max3A_130 : vector<16xf32>
      %select_n3A_140 = arith.select %eq3A_139, %broadcast_in_dim3A_29, %select_n3A_138 : vector<16xi1>, vector<16xi32>
      %eq3A_141 = arith.cmpf oeq, %gather3A_111, %max3A_130 : vector<16xf32>
      %select_n3A_142 = arith.select %eq3A_141, %broadcast_in_dim3A_27, %select_n3A_140 : vector<16xi1>, vector<16xi32>
      %eq3A_143 = arith.cmpf oeq, %gather3A_110, %max3A_130 : vector<16xf32>
      %select_n3A_144 = arith.select %eq3A_143, %broadcast_in_dim3A_25, %select_n3A_142 : vector<16xi1>, vector<16xi32>
      %eq3A_145 = arith.cmpf oeq, %gather3A_109, %max3A_130 : vector<16xf32>
      %select_n3A_146 = arith.select %eq3A_145, %broadcast_in_dim3A_23, %select_n3A_144 : vector<16xi1>, vector<16xi32>
      %eq3A_147 = arith.cmpf oeq, %gather3A_108, %max3A_130 : vector<16xf32>
      %select_n3A_148 = arith.select %eq3A_147, %broadcast_in_dim3A_21, %select_n3A_146 : vector<16xi1>, vector<16xi32>
      %eq3A_149 = arith.cmpf oeq, %gather3A_107, %max3A_130 : vector<16xf32>
      %select_n3A_150 = arith.select %eq3A_149, %broadcast_in_dim3A_19, %select_n3A_148 : vector<16xi1>, vector<16xi32>
      %eq3A_151 = arith.cmpf oeq, %gather3A_106, %max3A_130 : vector<16xf32>
      %select_n3A_152 = arith.select %eq3A_151, %broadcast_in_dim3A_17, %select_n3A_150 : vector<16xi1>, vector<16xi32>
      %eq3A_153 = arith.cmpf oeq, %gather3A_105, %max3A_130 : vector<16xf32>
      %select_n3A_154 = arith.select %eq3A_153, %broadcast_in_dim3A_15, %select_n3A_152 : vector<16xi1>, vector<16xi32>
      %eq3A_155 = arith.cmpf oeq, %gather3A_104, %max3A_130 : vector<16xf32>
      %select_n3A_156 = arith.select %eq3A_155, %broadcast_in_dim3A_13, %select_n3A_154 : vector<16xi1>, vector<16xi32>
      %eq3A_157 = arith.cmpf oeq, %gather3A_103, %max3A_130 : vector<16xf32>
      %select_n3A_158 = arith.select %eq3A_157, %broadcast_in_dim3A_11, %select_n3A_156 : vector<16xi1>, vector<16xi32>
      %eq3A_159 = arith.cmpf oeq, %gather3A_102, %max3A_130 : vector<16xf32>
      %select_n3A_160 = arith.select %eq3A_159, %broadcast_in_dim3A_9, %select_n3A_158 : vector<16xi1>, vector<16xi32>
      %eq3A_161 = arith.cmpf oeq, %gather3A, %max3A_130 : vector<16xf32>
      %select_n3A_162 = arith.select %eq3A_161, %broadcast_in_dim3A_7, %select_n3A_160 : vector<16xi1>, vector<16xi32>
      %eq3A_163 = arith.constant 0 : i32
      %eq3A_164 = vector.broadcast %eq3A_163 : i32 to vector<16xi32>
      %eq3A_165 = arith.cmpi eq, %select_n3A_162, %eq3A_164 : vector<16xi32>
      %select_n3A_166 = arith.select %eq3A_165, %broadcast_in_dim3A_3, %gather3A : vector<16xi1>, vector<16xf32>
      %eq3A_167 = arith.constant 1 : i32
      %eq3A_168 = vector.broadcast %eq3A_167 : i32 to vector<16xi32>
      %eq3A_169 = arith.cmpi eq, %select_n3A_162, %eq3A_168 : vector<16xi32>
      %select_n3A_170 = arith.select %eq3A_169, %broadcast_in_dim3A_3, %gather3A_102 : vector<16xi1>, vector<16xf32>
      %eq3A_171 = arith.constant 2 : i32
      %eq3A_172 = vector.broadcast %eq3A_171 : i32 to vector<16xi32>
      %eq3A_173 = arith.cmpi eq, %select_n3A_162, %eq3A_172 : vector<16xi32>
      %select_n3A_174 = arith.select %eq3A_173, %broadcast_in_dim3A_3, %gather3A_103 : vector<16xi1>, vector<16xf32>
      %eq3A_175 = arith.constant 3 : i32
      %eq3A_176 = vector.broadcast %eq3A_175 : i32 to vector<16xi32>
      %eq3A_177 = arith.cmpi eq, %select_n3A_162, %eq3A_176 : vector<16xi32>
      %select_n3A_178 = arith.select %eq3A_177, %broadcast_in_dim3A_3, %gather3A_104 : vector<16xi1>, vector<16xf32>
      %eq3A_179 = arith.constant 4 : i32
      %eq3A_180 = vector.broadcast %eq3A_179 : i32 to vector<16xi32>
      %eq3A_181 = arith.cmpi eq, %select_n3A_162, %eq3A_180 : vector<16xi32>
      %select_n3A_182 = arith.select %eq3A_181, %broadcast_in_dim3A_3, %gather3A_105 : vector<16xi1>, vector<16xf32>
      %eq3A_183 = arith.constant 5 : i32
      %eq3A_184 = vector.broadcast %eq3A_183 : i32 to vector<16xi32>
      %eq3A_185 = arith.cmpi eq, %select_n3A_162, %eq3A_184 : vector<16xi32>
      %select_n3A_186 = arith.select %eq3A_185, %broadcast_in_dim3A_3, %gather3A_106 : vector<16xi1>, vector<16xf32>
      %eq3A_187 = arith.constant 6 : i32
      %eq3A_188 = vector.broadcast %eq3A_187 : i32 to vector<16xi32>
      %eq3A_189 = arith.cmpi eq, %select_n3A_162, %eq3A_188 : vector<16xi32>
      %select_n3A_190 = arith.select %eq3A_189, %broadcast_in_dim3A_3, %gather3A_107 : vector<16xi1>, vector<16xf32>
      %eq3A_191 = arith.constant 7 : i32
      %eq3A_192 = vector.broadcast %eq3A_191 : i32 to vector<16xi32>
      %eq3A_193 = arith.cmpi eq, %select_n3A_162, %eq3A_192 : vector<16xi32>
      %select_n3A_194 = arith.select %eq3A_193, %broadcast_in_dim3A_3, %gather3A_108 : vector<16xi1>, vector<16xf32>
      %eq3A_195 = arith.constant 8 : i32
      %eq3A_196 = vector.broadcast %eq3A_195 : i32 to vector<16xi32>
      %eq3A_197 = arith.cmpi eq, %select_n3A_162, %eq3A_196 : vector<16xi32>
      %select_n3A_198 = arith.select %eq3A_197, %broadcast_in_dim3A_3, %gather3A_109 : vector<16xi1>, vector<16xf32>
      %eq3A_199 = arith.constant 9 : i32
      %eq3A_200 = vector.broadcast %eq3A_199 : i32 to vector<16xi32>
      %eq3A_201 = arith.cmpi eq, %select_n3A_162, %eq3A_200 : vector<16xi32>
      %select_n3A_202 = arith.select %eq3A_201, %broadcast_in_dim3A_3, %gather3A_110 : vector<16xi1>, vector<16xf32>
      %eq3A_203 = arith.constant 10 : i32
      %eq3A_204 = vector.broadcast %eq3A_203 : i32 to vector<16xi32>
      %eq3A_205 = arith.cmpi eq, %select_n3A_162, %eq3A_204 : vector<16xi32>
      %select_n3A_206 = arith.select %eq3A_205, %broadcast_in_dim3A_3, %gather3A_111 : vector<16xi1>, vector<16xf32>
      %eq3A_207 = arith.constant 11 : i32
      %eq3A_208 = vector.broadcast %eq3A_207 : i32 to vector<16xi32>
      %eq3A_209 = arith.cmpi eq, %select_n3A_162, %eq3A_208 : vector<16xi32>
      %select_n3A_210 = arith.select %eq3A_209, %broadcast_in_dim3A_3, %gather3A_112 : vector<16xi1>, vector<16xf32>
      %eq3A_211 = arith.constant 12 : i32
      %eq3A_212 = vector.broadcast %eq3A_211 : i32 to vector<16xi32>
      %eq3A_213 = arith.cmpi eq, %select_n3A_162, %eq3A_212 : vector<16xi32>
      %select_n3A_214 = arith.select %eq3A_213, %broadcast_in_dim3A_3, %gather3A_113 : vector<16xi1>, vector<16xf32>
      %eq3A_215 = arith.constant 13 : i32
      %eq3A_216 = vector.broadcast %eq3A_215 : i32 to vector<16xi32>
      %eq3A_217 = arith.cmpi eq, %select_n3A_162, %eq3A_216 : vector<16xi32>
      %select_n3A_218 = arith.select %eq3A_217, %broadcast_in_dim3A_3, %gather3A_114 : vector<16xi1>, vector<16xf32>
      %eq3A_219 = arith.constant 14 : i32
      %eq3A_220 = vector.broadcast %eq3A_219 : i32 to vector<16xi32>
      %eq3A_221 = arith.cmpi eq, %select_n3A_162, %eq3A_220 : vector<16xi32>
      %select_n3A_222 = arith.select %eq3A_221, %broadcast_in_dim3A_3, %gather3A_115 : vector<16xi1>, vector<16xf32>
      %eq3A_223 = arith.constant 15 : i32
      %eq3A_224 = vector.broadcast %eq3A_223 : i32 to vector<16xi32>
      %eq3A_225 = arith.cmpi eq, %select_n3A_162, %eq3A_224 : vector<16xi32>
      %select_n3A_226 = arith.select %eq3A_225, %broadcast_in_dim3A_3, %gather3A_116 : vector<16xi1>, vector<16xf32>
      %max3A_227 = arith.maximumf %select_n3A_166, %select_n3A_170 : vector<16xf32>
      %max3A_228 = arith.maximumf %max3A_227, %select_n3A_174 : vector<16xf32>
      %max3A_229 = arith.maximumf %max3A_228, %select_n3A_178 : vector<16xf32>
      %max3A_230 = arith.maximumf %max3A_229, %select_n3A_182 : vector<16xf32>
      %max3A_231 = arith.maximumf %max3A_230, %select_n3A_186 : vector<16xf32>
      %max3A_232 = arith.maximumf %max3A_231, %select_n3A_190 : vector<16xf32>
      %max3A_233 = arith.maximumf %max3A_232, %select_n3A_194 : vector<16xf32>
      %max3A_234 = arith.maximumf %max3A_233, %select_n3A_198 : vector<16xf32>
      %max3A_235 = arith.maximumf %max3A_234, %select_n3A_202 : vector<16xf32>
      %max3A_236 = arith.maximumf %max3A_235, %select_n3A_206 : vector<16xf32>
      %max3A_237 = arith.maximumf %max3A_236, %select_n3A_210 : vector<16xf32>
      %max3A_238 = arith.maximumf %max3A_237, %select_n3A_214 : vector<16xf32>
      %max3A_239 = arith.maximumf %max3A_238, %select_n3A_218 : vector<16xf32>
      %max3A_240 = arith.maximumf %max3A_239, %select_n3A_222 : vector<16xf32>
      %max3A_241 = arith.maximumf %max3A_240, %select_n3A_226 : vector<16xf32>
      %broadcast_in_dim3A_242 = arith.constant 16 : i32
      %broadcast_in_dim3A_243 = vector.broadcast %broadcast_in_dim3A_242 : i32 to vector<16xi32>
      %eq3A_244 = arith.cmpf oeq, %select_n3A_226, %max3A_241 : vector<16xf32>
      %select_n3A_245 = arith.select %eq3A_244, %broadcast_in_dim3A_37, %broadcast_in_dim3A_243 : vector<16xi1>, vector<16xi32>
      %eq3A_246 = arith.cmpf oeq, %select_n3A_222, %max3A_241 : vector<16xf32>
      %select_n3A_247 = arith.select %eq3A_246, %broadcast_in_dim3A_35, %select_n3A_245 : vector<16xi1>, vector<16xi32>
      %eq3A_248 = arith.cmpf oeq, %select_n3A_218, %max3A_241 : vector<16xf32>
      %select_n3A_249 = arith.select %eq3A_248, %broadcast_in_dim3A_33, %select_n3A_247 : vector<16xi1>, vector<16xi32>
      %eq3A_250 = arith.cmpf oeq, %select_n3A_214, %max3A_241 : vector<16xf32>
      %select_n3A_251 = arith.select %eq3A_250, %broadcast_in_dim3A_31, %select_n3A_249 : vector<16xi1>, vector<16xi32>
      %eq3A_252 = arith.cmpf oeq, %select_n3A_210, %max3A_241 : vector<16xf32>
      %select_n3A_253 = arith.select %eq3A_252, %broadcast_in_dim3A_29, %select_n3A_251 : vector<16xi1>, vector<16xi32>
      %eq3A_254 = arith.cmpf oeq, %select_n3A_206, %max3A_241 : vector<16xf32>
      %select_n3A_255 = arith.select %eq3A_254, %broadcast_in_dim3A_27, %select_n3A_253 : vector<16xi1>, vector<16xi32>
      %eq3A_256 = arith.cmpf oeq, %select_n3A_202, %max3A_241 : vector<16xf32>
      %select_n3A_257 = arith.select %eq3A_256, %broadcast_in_dim3A_25, %select_n3A_255 : vector<16xi1>, vector<16xi32>
      %eq3A_258 = arith.cmpf oeq, %select_n3A_198, %max3A_241 : vector<16xf32>
      %select_n3A_259 = arith.select %eq3A_258, %broadcast_in_dim3A_23, %select_n3A_257 : vector<16xi1>, vector<16xi32>
      %eq3A_260 = arith.cmpf oeq, %select_n3A_194, %max3A_241 : vector<16xf32>
      %select_n3A_261 = arith.select %eq3A_260, %broadcast_in_dim3A_21, %select_n3A_259 : vector<16xi1>, vector<16xi32>
      %eq3A_262 = arith.cmpf oeq, %select_n3A_190, %max3A_241 : vector<16xf32>
      %select_n3A_263 = arith.select %eq3A_262, %broadcast_in_dim3A_19, %select_n3A_261 : vector<16xi1>, vector<16xi32>
      %eq3A_264 = arith.cmpf oeq, %select_n3A_186, %max3A_241 : vector<16xf32>
      %select_n3A_265 = arith.select %eq3A_264, %broadcast_in_dim3A_17, %select_n3A_263 : vector<16xi1>, vector<16xi32>
      %eq3A_266 = arith.cmpf oeq, %select_n3A_182, %max3A_241 : vector<16xf32>
      %select_n3A_267 = arith.select %eq3A_266, %broadcast_in_dim3A_15, %select_n3A_265 : vector<16xi1>, vector<16xi32>
      %eq3A_268 = arith.cmpf oeq, %select_n3A_178, %max3A_241 : vector<16xf32>
      %select_n3A_269 = arith.select %eq3A_268, %broadcast_in_dim3A_13, %select_n3A_267 : vector<16xi1>, vector<16xi32>
      %eq3A_270 = arith.cmpf oeq, %select_n3A_174, %max3A_241 : vector<16xf32>
      %select_n3A_271 = arith.select %eq3A_270, %broadcast_in_dim3A_11, %select_n3A_269 : vector<16xi1>, vector<16xi32>
      %eq3A_272 = arith.cmpf oeq, %select_n3A_170, %max3A_241 : vector<16xf32>
      %select_n3A_273 = arith.select %eq3A_272, %broadcast_in_dim3A_9, %select_n3A_271 : vector<16xi1>, vector<16xi32>
      %eq3A_274 = arith.cmpf oeq, %select_n3A_166, %max3A_241 : vector<16xf32>
      %select_n3A_275 = arith.select %eq3A_274, %broadcast_in_dim3A_7, %select_n3A_273 : vector<16xi1>, vector<16xi32>
      %mul3A_276 = arith.constant 2 : i32
      %mul3A_277 = vector.broadcast %mul3A_276 : i32 to vector<16xi32>
      %mul3A_278 = arith.muli %add3A_50, %mul3A_277 : vector<16xi32>
      tpu.vector_store_idx %arg7[%mul3A_278], %select_n3A_162 : memref<512xi32, #tpu.memory_space<vmem>>[vector<16xi32>], vector<16xi32>,
      %add3A_279 = arith.constant 1 : i32
      %add3A_280 = vector.broadcast %add3A_279 : i32 to vector<16xi32>
      %add3A_281 = arith.addi %mul3A_278, %add3A_280 : vector<16xi32>
      tpu.vector_store_idx %arg7[%add3A_281], %select_n3A_275 : memref<512xi32, #tpu.memory_space<vmem>>[vector<16xi32>], vector<16xi32>,
      %mul3A_282 = arith.constant 256 : i32
      %mul3A_283 = arith.muli %scan3A_46, %mul3A_282 : i32
      %add3A_284 = arith.constant 0 : i32
      %add3A_285 = arith.addi %mul3A_283, %add3A_284 : i32
      %multiple_of3A_286 = tpu.assume_multiple %add3A_285, 16 : i32
      %swap3A = arith.index_cast %multiple_of3A_286 : i32 to index
      %swap3A_287 = tpu.vector_load %arg6[%swap3A] {strides = array<i32>} : memref<4096xf32, #tpu.memory_space<vmem>>, vector<16xf32>,
      tpu.vector_store %arg6[%swap3A], %broadcast_in_dim3A_5 {strides = array<i32>} : memref<4096xf32, #tpu.memory_space<vmem>>, vector<16xf32>,
      %mul3A_288 = arith.constant 256 : i32
      %mul3A_289 = arith.muli %scan3A_46, %mul3A_288 : i32
      %add3A_290 = arith.constant 16 : i32
      %add3A_291 = arith.addi %mul3A_289, %add3A_290 : i32
      %multiple_of3A_292 = tpu.assume_multiple %add3A_291, 16 : i32
      %swap3A_293 = arith.index_cast %multiple_of3A_292 : i32 to index
      %swap3A_294 = tpu.vector_load %arg6[%swap3A_293] {strides = array<i32>} : memref<4096xf32, #tpu.memory_space<vmem>>, vector<16xf32>,
      tpu.vector_store %arg6[%swap3A_293], %broadcast_in_dim3A_5 {strides = array<i32>} : memref<4096xf32, #tpu.memory_space<vmem>>, vector<16xf32>,
      %mul3A_295 = arith.constant 256 : i32
      %mul3A_296 = arith.muli %scan3A_46, %mul3A_295 : i32
      %add3A_297 = arith.constant 32 : i32
      %add3A_298 = arith.addi %mul3A_296, %add3A_297 : i32
      %multiple_of3A_299 = tpu.assume_multiple %add3A_298, 16 : i32
      %swap3A_300 = arith.index_cast %multiple_of3A_299 : i32 to index
      %swap3A_301 = tpu.vector_load %arg6[%swap3A_300] {strides = array<i32>} : memref<4096xf32, #tpu.memory_space<vmem>>, vector<16xf32>,
      tpu.vector_store %arg6[%swap3A_300], %broadcast_in_dim3A_5 {strides = array<i32>} : memref<4096xf32, #tpu.memory_space<vmem>>, vector<16xf32>,
      %mul3A_302 = arith.constant 256 : i32
      %mul3A_303 = arith.muli %scan3A_46, %mul3A_302 : i32
      %add3A_304 = arith.constant 48 : i32
      %add3A_305 = arith.addi %mul3A_303, %add3A_304 : i32
      %multiple_of3A_306 = tpu.assume_multiple %add3A_305, 16 : i32
      %swap3A_307 = arith.index_cast %multiple_of3A_306 : i32 to index
      %swap3A_308 = tpu.vector_load %arg6[%swap3A_307] {strides = array<i32>} : memref<4096xf32, #tpu.memory_space<vmem>>, vector<16xf32>,
      tpu.vector_store %arg6[%swap3A_307], %broadcast_in_dim3A_5 {strides = array<i32>} : memref<4096xf32, #tpu.memory_space<vmem>>, vector<16xf32>,
      %mul3A_309 = arith.constant 256 : i32
      %mul3A_310 = arith.muli %scan3A_46, %mul3A_309 : i32
      %add3A_311 = arith.constant 64 : i32
      %add3A_312 = arith.addi %mul3A_310, %add3A_311 : i32
      %multiple_of3A_313 = tpu.assume_multiple %add3A_312, 16 : i32
      %swap3A_314 = arith.index_cast %multiple_of3A_313 : i32 to index
      %swap3A_315 = tpu.vector_load %arg6[%swap3A_314] {strides = array<i32>} : memref<4096xf32, #tpu.memory_space<vmem>>, vector<16xf32>,
      tpu.vector_store %arg6[%swap3A_314], %broadcast_in_dim3A_5 {strides = array<i32>} : memref<4096xf32, #tpu.memory_space<vmem>>, vector<16xf32>,
      %mul3A_316 = arith.constant 256 : i32
      %mul3A_317 = arith.muli %scan3A_46, %mul3A_316 : i32
      %add3A_318 = arith.constant 80 : i32
      %add3A_319 = arith.addi %mul3A_317, %add3A_318 : i32
      %multiple_of3A_320 = tpu.assume_multiple %add3A_319, 16 : i32
      %swap3A_321 = arith.index_cast %multiple_of3A_320 : i32 to index
      %swap3A_322 = tpu.vector_load %arg6[%swap3A_321] {strides = array<i32>} : memref<4096xf32, #tpu.memory_space<vmem>>, vector<16xf32>,
      tpu.vector_store %arg6[%swap3A_321], %broadcast_in_dim3A_5 {strides = array<i32>} : memref<4096xf32, #tpu.memory_space<vmem>>, vector<16xf32>,
      %mul3A_323 = arith.constant 256 : i32
      %mul3A_324 = arith.muli %scan3A_46, %mul3A_323 : i32
      %add3A_325 = arith.constant 96 : i32
      %add3A_326 = arith.addi %mul3A_324, %add3A_325 : i32
      %multiple_of3A_327 = tpu.assume_multiple %add3A_326, 16 : i32
      %swap3A_328 = arith.index_cast %multiple_of3A_327 : i32 to index
      %swap3A_329 = tpu.vector_load %arg6[%swap3A_328] {strides = array<i32>} : memref<4096xf32, #tpu.memory_space<vmem>>, vector<16xf32>,
      tpu.vector_store %arg6[%swap3A_328], %broadcast_in_dim3A_5 {strides = array<i32>} : memref<4096xf32, #tpu.memory_space<vmem>>, vector<16xf32>,
      %mul3A_330 = arith.constant 256 : i32
      %mul3A_331 = arith.muli %scan3A_46, %mul3A_330 : i32
      %add3A_332 = arith.constant 112 : i32
      %add3A_333 = arith.addi %mul3A_331, %add3A_332 : i32
      %multiple_of3A_334 = tpu.assume_multiple %add3A_333, 16 : i32
      %swap3A_335 = arith.index_cast %multiple_of3A_334 : i32 to index
      %swap3A_336 = tpu.vector_load %arg6[%swap3A_335] {strides = array<i32>} : memref<4096xf32, #tpu.memory_space<vmem>>, vector<16xf32>,
      tpu.vector_store %arg6[%swap3A_335], %broadcast_in_dim3A_5 {strides = array<i32>} : memref<4096xf32, #tpu.memory_space<vmem>>, vector<16xf32>,
      %mul3A_337 = arith.constant 256 : i32
      %mul3A_338 = arith.muli %scan3A_46, %mul3A_337 : i32
      %add3A_339 = arith.constant 128 : i32
      %add3A_340 = arith.addi %mul3A_338, %add3A_339 : i32
      %multiple_of3A_341 = tpu.assume_multiple %add3A_340, 16 : i32
      %swap3A_342 = arith.index_cast %multiple_of3A_341 : i32 to index
      %swap3A_343 = tpu.vector_load %arg6[%swap3A_342] {strides = array<i32>} : memref<4096xf32, #tpu.memory_space<vmem>>, vector<16xf32>,
      tpu.vector_store %arg6[%swap3A_342], %broadcast_in_dim3A_5 {strides = array<i32>} : memref<4096xf32, #tpu.memory_space<vmem>>, vector<16xf32>,
      %mul3A_344 = arith.constant 256 : i32
      %mul3A_345 = arith.muli %scan3A_46, %mul3A_344 : i32
      %add3A_346 = arith.constant 144 : i32
      %add3A_347 = arith.addi %mul3A_345, %add3A_346 : i32
      %multiple_of3A_348 = tpu.assume_multiple %add3A_347, 16 : i32
      %swap3A_349 = arith.index_cast %multiple_of3A_348 : i32 to index
      %swap3A_350 = tpu.vector_load %arg6[%swap3A_349] {strides = array<i32>} : memref<4096xf32, #tpu.memory_space<vmem>>, vector<16xf32>,
      tpu.vector_store %arg6[%swap3A_349], %broadcast_in_dim3A_5 {strides = array<i32>} : memref<4096xf32, #tpu.memory_space<vmem>>, vector<16xf32>,
      %mul3A_351 = arith.constant 256 : i32
      %mul3A_352 = arith.muli %scan3A_46, %mul3A_351 : i32
      %add3A_353 = arith.constant 160 : i32
      %add3A_354 = arith.addi %mul3A_352, %add3A_353 : i32
      %multiple_of3A_355 = tpu.assume_multiple %add3A_354, 16 : i32
      %swap3A_356 = arith.index_cast %multiple_of3A_355 : i32 to index
      %swap3A_357 = tpu.vector_load %arg6[%swap3A_356] {strides = array<i32>} : memref<4096xf32, #tpu.memory_space<vmem>>, vector<16xf32>,
      tpu.vector_store %arg6[%swap3A_356], %broadcast_in_dim3A_5 {strides = array<i32>} : memref<4096xf32, #tpu.memory_space<vmem>>, vector<16xf32>,
      %mul3A_358 = arith.constant 256 : i32
      %mul3A_359 = arith.muli %scan3A_46, %mul3A_358 : i32
      %add3A_360 = arith.constant 176 : i32
      %add3A_361 = arith.addi %mul3A_359, %add3A_360 : i32
      %multiple_of3A_362 = tpu.assume_multiple %add3A_361, 16 : i32
      %swap3A_363 = arith.index_cast %multiple_of3A_362 : i32 to index
      %swap3A_364 = tpu.vector_load %arg6[%swap3A_363] {strides = array<i32>} : memref<4096xf32, #tpu.memory_space<vmem>>, vector<16xf32>,
      tpu.vector_store %arg6[%swap3A_363], %broadcast_in_dim3A_5 {strides = array<i32>} : memref<4096xf32, #tpu.memory_space<vmem>>, vector<16xf32>,
      %mul3A_365 = arith.constant 256 : i32
      %mul3A_366 = arith.muli %scan3A_46, %mul3A_365 : i32
      %add3A_367 = arith.constant 192 : i32
      %add3A_368 = arith.addi %mul3A_366, %add3A_367 : i32
      %multiple_of3A_369 = tpu.assume_multiple %add3A_368, 16 : i32
      %swap3A_370 = arith.index_cast %multiple_of3A_369 : i32 to index
      %swap3A_371 = tpu.vector_load %arg6[%swap3A_370] {strides = array<i32>} : memref<4096xf32, #tpu.memory_space<vmem>>, vector<16xf32>,
      tpu.vector_store %arg6[%swap3A_370], %broadcast_in_dim3A_5 {strides = array<i32>} : memref<4096xf32, #tpu.memory_space<vmem>>, vector<16xf32>,
      %mul3A_372 = arith.constant 256 : i32
      %mul3A_373 = arith.muli %scan3A_46, %mul3A_372 : i32
      %add3A_374 = arith.constant 208 : i32
      %add3A_375 = arith.addi %mul3A_373, %add3A_374 : i32
      %multiple_of3A_376 = tpu.assume_multiple %add3A_375, 16 : i32
      %swap3A_377 = arith.index_cast %multiple_of3A_376 : i32 to index
      %swap3A_378 = tpu.vector_load %arg6[%swap3A_377] {strides = array<i32>} : memref<4096xf32, #tpu.memory_space<vmem>>, vector<16xf32>,
      tpu.vector_store %arg6[%swap3A_377], %broadcast_in_dim3A_5 {strides = array<i32>} : memref<4096xf32, #tpu.memory_space<vmem>>, vector<16xf32>,
      %mul3A_379 = arith.constant 256 : i32
      %mul3A_380 = arith.muli %scan3A_46, %mul3A_379 : i32
      %add3A_381 = arith.constant 224 : i32
      %add3A_382 = arith.addi %mul3A_380, %add3A_381 : i32
      %multiple_of3A_383 = tpu.assume_multiple %add3A_382, 16 : i32
      %swap3A_384 = arith.index_cast %multiple_of3A_383 : i32 to index
      %swap3A_385 = tpu.vector_load %arg6[%swap3A_384] {strides = array<i32>} : memref<4096xf32, #tpu.memory_space<vmem>>, vector<16xf32>,
      tpu.vector_store %arg6[%swap3A_384], %broadcast_in_dim3A_5 {strides = array<i32>} : memref<4096xf32, #tpu.memory_space<vmem>>, vector<16xf32>,
      %mul3A_386 = arith.constant 256 : i32
      %mul3A_387 = arith.muli %scan3A_46, %mul3A_386 : i32
      %add3A_388 = arith.constant 240 : i32
      %add3A_389 = arith.addi %mul3A_387, %add3A_388 : i32
      %multiple_of3A_390 = tpu.assume_multiple %add3A_389, 16 : i32
      %swap3A_391 = arith.index_cast %multiple_of3A_390 : i32 to index
      %swap3A_392 = tpu.vector_load %arg6[%swap3A_391] {strides = array<i32>} : memref<4096xf32, #tpu.memory_space<vmem>>, vector<16xf32>,
      tpu.vector_store %arg6[%swap3A_391], %broadcast_in_dim3A_5 {strides = array<i32>} : memref<4096xf32, #tpu.memory_space<vmem>>, vector<16xf32>,
      %sub3A = arith.subf %max3A_241, %max3A_130 : vector<16xf32>
      %exp3A = math.exp %sub3A : vector<16xf32>
      %add3A_393 = arith.constant 1.000000e+00 : f32
      %add3A_394 = vector.broadcast %add3A_393 : f32 to vector<16xf32>
      %add3A_395 = arith.addf %add3A_394, %exp3A : vector<16xf32>
      %add3A_396 = arith.addi %mul3A_53, %select_n3A_162 : vector<16xi32>
      %div3A = arith.constant 1.000000e+00 : f32
      %div3A_397 = vector.broadcast %div3A : f32 to vector<16xf32>
      %div3A_398 = arith.divf %div3A_397, %add3A_395 : vector<16xf32>
      tpu.vector_store_idx %arg6[%add3A_396], %div3A_398 : memref<4096xf32, #tpu.memory_space<vmem>>[vector<16xi32>], vector<16xf32>,
      %add3A_399 = arith.addi %mul3A_53, %select_n3A_275 : vector<16xi32>
      %div3A_400 = arith.divf %exp3A, %add3A_395 : vector<16xf32>
      tpu.vector_store_idx %arg6[%add3A_399], %div3A_400 : memref<4096xf32, #tpu.memory_space<vmem>>[vector<16xi32>], vector<16xf32>,
    }
    %scan3A_42 = arith.constant 16 : i32
    "tpu.region"() ({
      %run_scoped3A = tpu.sem_alloc : memref<!tpu.dma_semaphore, #tpu.memory_space<semaphore_mem>>
      %dma_start3A = tpu.memref_slice %arg3[%multiple_of3A] : memref<131072xf32, #tpu.memory_space<hbm>> -> memref<4096xf32, #tpu.memory_space<hbm>>
      %dma_start3A_46 = tpu.memref_slice %arg3[%multiple_of3A] : memref<131072xf32, #tpu.memory_space<hbm>> -> memref<4096xf32, #tpu.memory_space<hbm>>
      tpu.enqueue_dma source(%arg6 : memref<4096xf32, #tpu.memory_space<vmem>>) target(%dma_start3A_46 : memref<4096xf32, #tpu.memory_space<hbm>>) target_semaphore(%run_scoped3A : memref<!tpu.dma_semaphore, #tpu.memory_space<semaphore_mem>>)
      %dma_wait3A = tpu.memref_slice %arg3[%multiple_of3A] : memref<131072xf32, #tpu.memory_space<hbm>> -> memref<4096xf32, #tpu.memory_space<hbm>>
      %dma_wait3A_47 = tpu.memref_slice %arg3[%multiple_of3A] : memref<131072xf32, #tpu.memory_space<hbm>> -> memref<4096xf32, #tpu.memory_space<hbm>>
      tpu.wait_dma2 semaphore(%run_scoped3A : memref<!tpu.dma_semaphore, #tpu.memory_space<semaphore_mem>>) src(%arg6 : memref<4096xf32, #tpu.memory_space<vmem>>) dst(%dma_wait3A_47 : memref<4096xf32, #tpu.memory_space<hbm>>)
      tpu.yield
    }) : () -> ()
    %mul3A_43 = arith.constant 512 : i32
    %mul3A_44 = arith.muli %add3A, %mul3A_43 : i32
    %multiple_of3A_45 = tpu.assume_multiple %mul3A_44, 512 : i32
    "tpu.region"() ({
      %run_scoped3A = tpu.sem_alloc : memref<!tpu.dma_semaphore, #tpu.memory_space<semaphore_mem>>
      %dma_start3A = tpu.memref_slice %arg4[%multiple_of3A_45] : memref<16384xi32, #tpu.memory_space<hbm>> -> memref<512xi32, #tpu.memory_space<hbm>>
      %dma_start3A_46 = tpu.memref_slice %arg4[%multiple_of3A_45] : memref<16384xi32, #tpu.memory_space<hbm>> -> memref<512xi32, #tpu.memory_space<hbm>>
      tpu.enqueue_dma source(%arg7 : memref<512xi32, #tpu.memory_space<vmem>>) target(%dma_start3A_46 : memref<512xi32, #tpu.memory_space<hbm>>) target_semaphore(%run_scoped3A : memref<!tpu.dma_semaphore, #tpu.memory_space<semaphore_mem>>)
      %dma_wait3A = tpu.memref_slice %arg4[%multiple_of3A_45] : memref<16384xi32, #tpu.memory_space<hbm>> -> memref<512xi32, #tpu.memory_space<hbm>>
      %dma_wait3A_47 = tpu.memref_slice %arg4[%multiple_of3A_45] : memref<16384xi32, #tpu.memory_space<hbm>> -> memref<512xi32, #tpu.memory_space<hbm>>
      tpu.wait_dma2 semaphore(%run_scoped3A : memref<!tpu.dma_semaphore, #tpu.memory_space<semaphore_mem>>) src(%arg7 : memref<512xi32, #tpu.memory_space<vmem>>) dst(%dma_wait3A_47 : memref<512xi32, #tpu.memory_space<hbm>>)
      tpu.yield
    }) : () -> ()
    return
  }
}

module attributes {stable_mosaic.version = 14 : i64} {
  func.func @_logits_block(%arg0: i32, %arg1: memref<2048x1024xf32, #tpu.memory_space<vmem>>, %arg2: memref<1024x2048xf32, #tpu.memory_space<vmem>>, %arg3: memref<1x2048xf32, #tpu.memory_space<vmem>>, %arg4: memref<2048x16xf32, #tpu.memory_space<vmem>>, %arg5: memref<1x16xf32, #tpu.memory_space<vmem>>, %arg6: memref<2048x16xf32, #tpu.memory_space<vmem>>, %arg7: memref<2048x16xf32, #tpu.memory_space<vmem>>) attributes {dimension_semantics = [#tpu.dimension_semantics<arbitrary>], iteration_bounds = array<i64: 4>, scalar_prefetch = 0 : i64, scratch_operands = 0 : i64, tpu.core_type = #tpu.core_type<tc>, window_params = [{transform_indices = @transform_0, window_bounds = array<i64: 2048, 1024>}, {pipeline_mode = #tpu.pipeline_mode<synchronous>, transform_indices = @transform_1, window_bounds = array<i64: 1024, 2048>}, {pipeline_mode = #tpu.pipeline_mode<synchronous>, transform_indices = @transform_2, window_bounds = array<i64: 1, 2048>}, {pipeline_mode = #tpu.pipeline_mode<synchronous>, transform_indices = @transform_3, window_bounds = array<i64: 2048, 16>}, {pipeline_mode = #tpu.pipeline_mode<synchronous>, transform_indices = @transform_4, window_bounds = array<i64: 1, 16>}, {transform_indices = @transform_5, window_bounds = array<i64: 2048, 16>}, {transform_indices = @transform_6, window_bounds = array<i64: 2048, 16>}]} {
    %get3A = arith.constant 0 : index
    %get3A_0 = arith.constant 0 : index
    %get3A_1 = vector.load %arg1[%get3A, %get3A_0] : memref<2048x1024xf32, #tpu.memory_space<vmem>>, vector<2048x1024xf32>
    %get3A_2 = arith.constant 0 : index
    %get3A_3 = arith.constant 0 : index
    %get3A_4 = vector.load %arg2[%get3A_2, %get3A_3] : memref<1024x2048xf32, #tpu.memory_space<vmem>>, vector<1024x2048xf32>
    %dot_general3A = arith.constant dense<0.000000e+00> : vector<2048x2048xf32>
    %dot_general3A_5 = tpu.matmul %get3A_1, %get3A_4, %dot_general3A {dimension_numbers = #tpu.dot_dimension_numbers<[1], [0], [0], [1], [0, 0, 1, 1], [], []>, transpose_lhs_hint = false} : vector<2048x1024xf32>, vector<1024x2048xf32>, vector<2048x2048xf32> -> vector<2048x2048xf32>
    %get3A_6 = arith.constant 0 : index
    %get3A_7 = arith.constant 0 : index
    %get3A_8 = vector.load %arg3[%get3A_6, %get3A_7] : memref<1x2048xf32, #tpu.memory_space<vmem>>, vector<1x2048xf32>
    %add3A = vector.broadcast %get3A_8 : vector<1x2048xf32> to vector<2048x2048xf32>
    %add3A_9 = arith.addf %dot_general3A_5, %add3A : vector<2048x2048xf32>
    %max3A = arith.constant 0.000000e+00 : f32
    %max3A_10 = vector.broadcast %max3A : f32 to vector<2048x2048xf32>
    %max3A_11 = arith.maximumf %add3A_9, %max3A_10 : vector<2048x2048xf32>
    %get3A_12 = arith.constant 0 : index
    %get3A_13 = arith.constant 0 : index
    %get3A_14 = vector.load %arg4[%get3A_12, %get3A_13] : memref<2048x16xf32, #tpu.memory_space<vmem>>, vector<2048x16xf32>
    %dot_general3A_15 = arith.constant dense<0.000000e+00> : vector<2048x16xf32>
    %dot_general3A_16 = tpu.matmul %max3A_11, %get3A_14, %dot_general3A_15 {dimension_numbers = #tpu.dot_dimension_numbers<[1], [0], [0], [1], [0, 0, 1, 1], [], []>, transpose_lhs_hint = false} : vector<2048x2048xf32>, vector<2048x16xf32>, vector<2048x16xf32> -> vector<2048x16xf32>
    %get3A_17 = arith.constant 0 : index
    %get3A_18 = arith.constant 0 : index
    %get3A_19 = vector.load %arg5[%get3A_17, %get3A_18] : memref<1x16xf32, #tpu.memory_space<vmem>>, vector<1x16xf32>
    %add3A_20 = vector.broadcast %get3A_19 : vector<1x16xf32> to vector<2048x16xf32>
    %add3A_21 = arith.addf %dot_general3A_16, %add3A_20 : vector<2048x16xf32>
    %swap3A = arith.constant 0 : index
    %swap3A_22 = arith.constant 0 : index
    %swap3A_23 = vector.load %arg6[%swap3A, %swap3A_22] : memref<2048x16xf32, #tpu.memory_space<vmem>>, vector<2048x16xf32>
    tpu.vector_store %arg6[%swap3A, %swap3A_22], %add3A_21 {strides = array<i32>} : memref<2048x16xf32, #tpu.memory_space<vmem>>, vector<2048x16xf32>,
    %reduce_max3A = arith.constant dense<0xFF800000> : vector<2048xf32>
    %reduce_max3A_24 = vector.multi_reduction <maximumf>, %add3A_21, %reduce_max3A [1] : vector<2048x16xf32> to vector<2048xf32>
    %broadcast_in_dim3A = vector.shape_cast %reduce_max3A_24 : vector<2048xf32> to vector<2048x1xf32>
    %sub3A = vector.broadcast %broadcast_in_dim3A : vector<2048x1xf32> to vector<2048x16xf32>
    %sub3A_25 = arith.subf %add3A_21, %sub3A : vector<2048x16xf32>
    %mul3A = arith.constant 1.000000e+02 : f32
    %mul3A_26 = vector.broadcast %mul3A : f32 to vector<2048x16xf32>
    %mul3A_27 = arith.mulf %sub3A_25, %mul3A_26 : vector<2048x16xf32>
    %exp3A = math.exp %mul3A_27 : vector<2048x16xf32>
    %reduce_sum3A = arith.constant dense<0.000000e+00> : vector<2048xf32>
    %reduce_sum3A_28 = vector.multi_reduction <add>, %exp3A, %reduce_sum3A [1] : vector<2048x16xf32> to vector<2048xf32>
    %broadcast_in_dim3A_29 = vector.shape_cast %reduce_sum3A_28 : vector<2048xf32> to vector<2048x1xf32>
    %div3A = vector.broadcast %broadcast_in_dim3A_29 : vector<2048x1xf32> to vector<2048x16xf32>
    %div3A_30 = arith.divf %exp3A, %div3A : vector<2048x16xf32>
    %swap3A_31 = arith.constant 0 : index
    %swap3A_32 = arith.constant 0 : index
    %swap3A_33 = vector.load %arg7[%swap3A_31, %swap3A_32] : memref<2048x16xf32, #tpu.memory_space<vmem>>, vector<2048x16xf32>
    tpu.vector_store %arg7[%swap3A_31, %swap3A_32], %div3A_30 {strides = array<i32>} : memref<2048x16xf32, #tpu.memory_space<vmem>>, vector<2048x16xf32>,
    return
  }
  func.func @transform_0(%arg0: i32) -> (i32, i32) {
    %c0_i32 = arith.constant 0 : i32
    %c0_i32_0 = arith.constant 0 : i32
    return %arg0, %c0_i32 : i32, i32
  }
  func.func @transform_1(%arg0: i32) -> (i32, i32) {
    %c0_i32 = arith.constant 0 : i32
    %c0_i32_0 = arith.constant 0 : i32
    %c0_i32_1 = arith.constant 0 : i32
    return %c0_i32, %c0_i32_0 : i32, i32
  }
  func.func @transform_2(%arg0: i32) -> (i32, i32) {
    %c0_i32 = arith.constant 0 : i32
    %c0_i32_0 = arith.constant 0 : i32
    %c0_i32_1 = arith.constant 0 : i32
    return %c0_i32, %c0_i32_0 : i32, i32
  }
  func.func @transform_3(%arg0: i32) -> (i32, i32) {
    %c0_i32 = arith.constant 0 : i32
    %c0_i32_0 = arith.constant 0 : i32
    %c0_i32_1 = arith.constant 0 : i32
    return %c0_i32, %c0_i32_0 : i32, i32
  }
  func.func @transform_4(%arg0: i32) -> (i32, i32) {
    %c0_i32 = arith.constant 0 : i32
    %c0_i32_0 = arith.constant 0 : i32
    %c0_i32_1 = arith.constant 0 : i32
    return %c0_i32, %c0_i32_0 : i32, i32
  }
  func.func @transform_5(%arg0: i32) -> (i32, i32) {
    %c0_i32 = arith.constant 0 : i32
    %c0_i32_0 = arith.constant 0 : i32
    return %arg0, %c0_i32 : i32, i32
  }
  func.func @transform_6(%arg0: i32) -> (i32, i32) {
    %c0_i32 = arith.constant 0 : i32
    %c0_i32_0 = arith.constant 0 : i32
    return %arg0, %c0_i32 : i32, i32
  }
}

</mosaic_0001>

<sc_bundles>
// kernel: kernel.4.cloned.1.call-start
scs
__scs_entry_jumppad:
0x0: {  	(pc) =	sbr.rel $0x88, $3  }
0x1: {  	(tag) =	ssettag $0x0;
	lr =	simm.s32 $0x1  }
0x2: {  	[smem:$0x3F9C] =	sst lr;
	_ =	strace $0xD0000000  }
0x3: {  	_ = 	snop  }
0x4: {  	_ = 	snop  }
0x5: {  	_ = 	snop  }
0x6: {  	_ = 	snop  }
0x7: {  	_ = 	snop  }
__scs_overlays_trampoline_lowered:
0x8: {  	[smem:$0x3FAB] =	sst s0  }
0x9: {  	[smem:$0x3FAC] =	sst s1  }
0xa: {  	[smem:$0x3FAD] =	sst s2  }
0xb: {  	[smem:$0x3FAE] =	sst s3  }
0xc: {  	[smem:$0x3FAF] =	sst s4  }
0xd: {  	[smem:$0x3FB0] =	sst s5  }
0xe: {  	[smem:$0x3FB1] =	sst s6  }
0xf: {  	[smem:$0x3FB2] =	sst s7  }
0x10: {  	[smem:$0x3FB3] =	sst s8  }
0x11: {  	[smem:$0x3FB4] =	sst s9;
	s0 =	simm.s32 @!p0 $0x0  }
0x12: {  	s1 =	sld [smem:$0x3F9A];
	s0 =	simm.s32 @p0 $0x1  }
0x13: {  	[smem:$0x3FB5] =	sst s0;
	s0 =	simm.s32 @!p1 $0x0  }
0x14: {  	s2 =	sld [smem:$0x3F99];
	s0 =	simm.s32 @p1 $0x1  }
0x15: {  	[smem:$0x3FB6] =	sst s0;
	s0 =	simm.s32 @!p2 $0x0  }
0x16: {  	s3 =	sld [smem:$0x3FDB];
	s0 =	simm.s32 @p2 $0x1  }
0x17: {  	s4 =	simm.s32 $0x1BF5;
	[smem:$0x3FB8] =	sst s0  }
0x18: {  	s0 =	sld [smem:$0x3F9B];
	_ =	swait.ge [sflag:s4], $0x0  }
0x19: {  	s7 =	sld [smem:$0x3F9C]  }
0x1a: {  	s8 =	sadd.s32 $0xFFFFE003, lr  }
0x1b: {  	s9 =	sadd.s32 $0xFFFFFEF7, lr;
	s5 =	simm.s32 $0xFFFFFFFF;
	p2 =	slt.u32 s8, $0xFFFFF086  }
0x1c: {  	p1 =	slt.u32 s9, $0xF7A;
	s5 =	simm.s32 @!p2 $0x0  }
0x1d: {  	s5 =	simm.s32 @p1 $0x1;
	p0 =	seq.s32 s7, s2  }
0x1e: {  	s7 =	smul.u32 @!p0 $0xF7A, s2;
	p2 =	seq.s32 @!p0 s5, $0x0  }
0x1f: {  	s9 =	smul.u32 $0xF7A, s1;
	s8 =	simm.s32 @!p0 $0x1BF5;
	p2 =	por !p2, p0  }
0x20: {  	[sflag:s8] =	ssyncset.s32 @!p0 $0xFFFFF086;
	s6 =	sadd.s32 @!p0 s3, s7;
	s7 =	simm.s32 @!p0 $0x108  }
0x21: {  	s3 =	sadd.s32 s3, s9;
	s6 =	sadd.s32 @!p0 $0x88, s6;
	s7 =	simm.s32 @p2 $0x1082  }
0x22: {  	[simem:s7], [sflag:s8] =	dma.local @!p0 [hbm:s6], $0xF7A  }
0x23: {  	s9 =	sor.u32 $0xD0000000, s2;
	s6 =	simm.s32 $0x108;
	_ =	swait.ge @!p0 [sflag:s8], $0x0  }
0x24: {  	s3 =	sadd.s32 $0x88, s3;
	s6 =	simm.s32 @!p1 $0x1082;
	[sflag:s4] =	ssyncset.s32 $0xFFFFF086  }
0x25: {  	[simem:s6], [sflag:s4] =	dma.local [hbm:s3], $0xF7A  }
0x26: {  	[smem:$0x3F9C] =	sst s1;
	(tag) =	ssettag s2;
	_ =	strace s9  }
0x27: {  	s1 =	sld [smem:$0x3FAC]  }
0x28: {  	s2 =	sld [smem:$0x3FAD]  }
0x29: {  	s4 =	sld [smem:$0x3FAF]  }
0x2a: {  	p0 =	seq.s32 s5, $0x0;
	s5 =	sld [smem:$0x3FB0]  }
0x2b: {  	s6 =	sld [smem:$0x3FB1]  }
0x2c: {  	s7 =	sld [smem:$0x3FB2]  }
0x2d: {  	s3 =	simm.s32 $0x108;
	s8 =	sld [smem:$0x3FB3]  }
0x2e: {  	s3 =	simm.s32 @!p0 $0x1082;
	s9 =	sld [smem:$0x3FB4]  }
0x2f: {  	lr =	sadd.s32 s0, s3;
	s0 =	sld [smem:$0x3FAB]  }
0x30: {  	s3 =	sld [smem:$0x3FAE]  }
0x31: {  	[smem:$0x3FB7] =	sst s10  }
0x32: {  	s10 =	sld [smem:$0x3FB5];
	_ =	sdelay $0x3  }
0x33: {  	p0 =	seq.s32 s10, $0x1;
	s10 =	sld [smem:$0x3FB7];
	_ =	sdelay $0x3  }
0x34: {  	[smem:$0x3FB7] =	sst s10  }
0x35: {  	s10 =	sld [smem:$0x3FB6];
	_ =	sdelay $0x3  }
0x36: {  	p1 =	seq.s32 s10, $0x1;
	s10 =	sld [smem:$0x3FB7];
	_ =	sdelay $0x3  }
0x37: {  	[smem:$0x3FB7] =	sst s10  }
0x38: {  	s10 =	sld [smem:$0x3FB8]  }
0x39: {  	_ = 	snop;
	(pc) =	sbr.ind lr, $3  }
0x3a: {  	_ = 	snop  }
0x3b: {  	_ = 	snop  }
0x3c: {  	p2 =	seq.s32 s10, $0x1;
	s10 =	sld [smem:$0x3FB7]  }
0x3d: {  	_ =	shalt  }
0x3e: {  	_ =	shalt  }
0x3f: {  	_ =	shalt  }
0x40: {  	_ =	shalt  }
0x41: {  	_ =	shalt  }
0x42: {  	_ =	shalt  }
0x43: {  	_ =	shalt  }
0x44: {  	_ =	shalt  }
0x45: {  	_ =	shalt  }
0x46: {  	_ =	shalt  }
0x47: {  	_ =	shalt  }
0x48: {  	_ =	shalt  }
0x49: {  	_ =	shalt  }
0x4a: {  	_ =	shalt  }
0x4b: {  	_ =	shalt  }
0x4c: {  	_ =	shalt  }
0x4d: {  	_ =	shalt  }
0x4e: {  	_ =	shalt  }
0x4f: {  	_ =	shalt  }
0x50: {  	_ =	shalt  }
0x51: {  	_ =	shalt  }
0x52: {  	_ =	shalt  }
0x53: {  	_ =	shalt  }
0x54: {  	_ =	shalt  }
0x55: {  	_ =	shalt  }
0x56: {  	_ =	shalt  }
0x57: {  	_ =	shalt  }
0x58: {  	_ =	shalt  }
0x59: {  	_ =	shalt  }
0x5a: {  	_ =	shalt  }
0x5b: {  	_ =	shalt  }
0x5c: {  	_ =	shalt  }
0x5d: {  	_ =	shalt  }
0x5e: {  	_ =	shalt  }
0x5f: {  	_ =	shalt  }
0x60: {  	_ =	shalt  }
0x61: {  	_ =	shalt  }
0x62: {  	_ =	shalt  }
0x63: {  	_ =	shalt  }
0x64: {  	_ =	shalt  }
0x65: {  	_ =	shalt  }
0x66: {  	_ =	shalt  }
0x67: {  	_ =	shalt  }
0x68: {  	_ =	shalt  }
0x69: {  	_ =	shalt  }
0x6a: {  	_ =	shalt  }
0x6b: {  	_ =	shalt  }
0x6c: {  	_ =	shalt  }
0x6d: {  	_ =	shalt  }
0x6e: {  	_ =	shalt  }
0x6f: {  	_ =	shalt  }
0x70: {  	_ =	shalt  }
0x71: {  	_ =	shalt  }
0x72: {  	_ =	shalt  }
0x73: {  	_ =	shalt  }
0x74: {  	_ =	shalt  }
0x75: {  	_ =	shalt  }
0x76: {  	_ =	shalt  }
0x77: {  	_ =	shalt  }
0x78: {  	_ =	shalt  }
0x79: {  	_ =	shalt  }
0x7a: {  	_ =	shalt  }
0x7b: {  	_ =	shalt  }
0x7c: {  	_ =	shalt  }
0x7d: {  	_ =	shalt  }
0x7e: {  	_ =	shalt  }
0x7f: {  	_ =	shalt  }
0x80: {  	_ =	shalt  }
0x81: {  	_ =	shalt  }
0x82: {  	_ =	shalt  }
0x83: {  	_ =	shalt  }
0x84: {  	_ =	shalt  }
0x85: {  	_ =	shalt  }
0x86: {  	_ =	shalt  }
0x87: {  	_ =	shalt  }
.Lfunc_end0:
.L_simem_size_0:
called_computation_lowered:
.L_overlay_start_0:
0x88: {  	s2 =	sld [smem:$0x3FD9]  }
0x89: {  	s3 =	sld [smem:$0x3FFE];
	_ =	sdelay $0x1  }
0x8a: {  	s1 =	srdreg.scid  }
0x8b: {  	s0 =	sand.u32 $0x1, s1  }
0x8c: {  	s14 =	sshll.u32 s0, $0xA;
	s2 =	sadd.s32 s3, s2  }
0x8d: {  	s2 =	sadd.s32 s2, s14  }
0x8e: {  	[smem:$0x3FC3] =	sst s2  }
0x8f: {  	_ = 	snop  }
0x90: {  	s2 =	sld [smem:$0x3FD0];
	_ =	sdelay $0x2  }
0x91: {  	s15 =	simm.s32 $0xA;
	s4 =	simm.s32 $0x10  }
0x92: {  	[smem:s4], [sflag:s15] =	dma.local [hbm:s2], $0x1  }
0x93: {  	_ =	swait.eq [sflag:s15], $0x1  }
0x94: {  	[sflag:s15] =	ssyncset.done $0x0  }
0x95: {  	s16 =	sld [smem:$0x11];
	[sflag:s15] =	ssyncadd.s32 $0xFFFFFFFF  }
0x96: {  	s17 =	sld [smem:$0x12];
	(tm) =	ssettm $0x1  }
0x97: {  	s18 =	sld [smem:$0x3FFB];
	_ =	sdelay $0x3  }
0x98: {  	_ =	strace s18  }
0x99: {  	s4 =	sld [smem:$0x3FFC];
	_ =	sdelay $0x3  }
0x9a: {  	_ =	strace s4  }
0x9b: {  	s4 =	sld [smem:$0x3FFD];
	_ =	sdelay $0x3  }
0x9c: {  	_ =	strace s4  }
0x9d: {  	_ =	strace $0x8FFFFFFF  }
0x9e: {  	s19 =	sld [smem:$0x3FDB];
	_ =	sdelay $0x1  }
0x9f: {  	s5 =	simm.s32 $_scs_section_size  }
0xa0: {  	s6 =	simm.s32 $_size__tile_overlayer_lowered;
	s7 =	simm.s32 $_tile_overlayer_lowered  }
0xa1: {  	s22 =	simm.s32 $0x1BFF;
	s21 =	sshll.u32 s7, $0x1;
	s4 =	sadd.s32 s5, s19  }
0xa2: {  	s8 =	simm.s32 $0x0;
	s20 =	sshll.u32 s6, $0x1;
	s6 =	sadd.s32 s21, s4  }
0xa3: {  	[timem:s8], [sflag:s22] =	dma.local [hbm:s6], s20  }
0xa4: {  	_ =	swait.ge [sflag:s22], s20  }
0xa5: {  	s5 =	ssub.s32 $0x0, s20;
	[sflag:s22] =	ssyncset.done $0x0  }
0xa6: {  	[sflag:s22] =	ssyncadd.s32 s5;
	_ =	sdelay $0x1  }
0xa7: {  	s23 =	simm.s32 $0x1B8B  }
0xa8: {  	_ =	swait.ge [sflag:s23], $0x1  }
0xa9: {  	[sflag:s23] =	ssyncset.done $0x0  }
0xaa: {  	s25 =	simm.s32 $0x1B8E;
	s24 =	sld [smem:$0x3FFE];
	[sflag:s23] =	ssyncadd.s32 $0xFFFFFFFF  }
0xab: {  	s26 =	simm.s32 $execute0_lowered;
	[smem:$0x3FD2] =	sst s25  }
0xac: {  	s6 =	sshll.u32 s26, $0x1;
	_ =	strace $0x80000046;
	[dreg:$0x1] =	wrdreg $0xFFFFFFFF  }
0xad: {  	s28 =	simm.s32 $_size_execute0_lowered;
	s4 =	sadd.s32 s4, s6;
	[dreg:$0x0] =	wrdreg $0x0  }
0xae: {  	s6 =	sshll.u32 s28, $0x1;
	[dreg:$0x2] =	wrdreg s4  }
0xaf: {  	[dreg:$0x3] =	wrdreg s6  }
0xb0: {  	[dreg:$0x4] =	wrdreg $0xC0  }
0xb1: {  	_ =	task [dreg:s8], $0x5FFFF  }
0xb2: {  	[dreg:$0x1] =	wrdreg $0xFFFFFFFF  }
0xb3: {  	[dreg:$0x0] =	wrdreg $0x60  }
0xb4: {  	[dreg:$0x2] =	wrdreg s16  }
0xb5: {  	[dreg:$0x3] =	wrdreg s24  }
0xb6: {  	[dreg:$0x4] =	wrdreg s17  }
0xb7: {  	[dreg:$0x5] =	wrdreg $0x9  }
0xb8: {  	_ =	task.clear_ibuf [dreg:s8], $0x6FFFF;
	_ =	strace $0x90000046  }
0xb9: {  	s29 =	simm.s32 $0x9;
	_ =	strace $0x80000048  }
0xba: {  	_ =	swait.ge [sflag:s29], $0x1  }
0xbb: {  	[sflag:s29] =	ssyncadd.s32 $0xFFFFFFFF  }
0xbc: {  	_ =	strace $0x90000048  }
0xbd: {  	_ =	sfence  }
0xbe: {  	s30 =	sld [smem:$0x0];
	_ =	sdelay $0x2  }
0xbf: {  	s31 =	sshll.u32 s1, $0xD;
	s1 =	sshrl.u32 s1, $0x2  }
0xc0: {  	s3 =	sand.u32 $0x4000, s31;
	s1 =	sadd.s32 s1, s30  }
0xc1: {  	s0 =	sor.u32 s3, s0;
	s1 =	sshll.u32 s1, $0x11  }
0xc2: {  	s0 =	sor.u32 s1, s0  }
0xc3: {  	s0 =	sadd.s32 $0x8F2B, s0  }
0xc4: {  	[sflag:s0] =	ssyncadd.remote.s32 $0x1  }
0xc5: {  	_ =	sfence.sel $0xFFFF  }
0xc6: {  	[dreg:$0x0] =	wrdreg $0xFFFFFFFF;
	(pc) =	sbr.abs _section_cstart, $3  }
0xc7: {  	[dreg:$0x1] =	wrdreg $0xFFFFFFFF  }
0xc8: {  	_ =	task.clear_ibuf [dreg:s8], $0x2FFFF;
	_ =	strace $0x9FFFFFFF  }
0xc9: {  	(tm) =	ssettm $0x7FFFFFFF  }
tec
execute0_lowered:
.L_overlay_start_1:
0x0: {  	(tag) =	ssettag $0x1  }
0x1: {  	s3 =	rddreg [dreg:$0x0]  }
0x2: {  	s4 =	rddreg [dreg:$0x1]  }
0x3: {  	s5 =	rddreg [dreg:$0x2]  }
0x4: {  	s2 =	srdreg.scid;
	s1 =	stileid.u32  }
0x5: {  	s0 =	rddreg [dreg:$0x3];
	s6 =	sand.u32 $0x1, s2;
	s7 =	sshll.u32 s1, $0x1  }
0x6: {  	s10 =	simm.s32 $0x0;
	s2 =	simm.s32 $0x0;
	s7 =	sor.u32 s6, s7  }
0x7: {  	s6 =	ssub.s32 $0x2, s6;
	[smem:$0x7FF] =	sst s2;
	s8 =	sshll.u32 s7, $0x9  }
0x8: {  	s9 =	sshrl.u32 s6, $0x1;
	_ =	strace $0x80000047;
	s7 =	sshll.u32 s7, $0x6  }
0x9: {  	s4 =	sadd.s32 s8, s4;
	s6 =	ssub.s32 s6, s9;
	s3 =	sadd.s32 s3, s8  }
0xa: {  	s5 =	sadd.s32 s5, s7;
	s7 =	simm.s32 $0x1;
	s8 =	simm.s32 $0x2000  }
0xb: {  	v0 =	vlaneseq.u32;
	v1 =	vimm.s32 $0x10;
	v2 =	vimm.f32 $0.0e+00;
	s9 =	simm.s32 $0x1000;
	s4 =	sadd.s32 $0x1200, s4;
	s6 =	smax.u32 s6, $0x1  }
.LBB2_1:
0xc: {  	v4 =	vor.u32 s2, v0  }
0xd: {  	v3 =	vshll.u32 v4, $0x4  }
0xe: {  	[tilespmem:s2], [sflag:$0x1] =	stream.linear.gather [hbm4b:s3+s2], $0x1000, $0x38;
	v5 =	vor.u32 $0x1, v3;
	[tilespmem:$0x2200] =	vst v63  }
0xf: {  	_ =	swait.ge [sflag:s7], $0x1000;
	v6 =	vor.u32 $0x2, v3  }
0x10: {  	[sflag:s7] =	ssyncset.done $0x0;
	v7 =	vor.u32 $0x3, v3  }
0x11: {  	v8 =	vor.u32 $0x4, v3;
	[sflag:s7] =	ssyncadd.s32 $0xFFFFF000  }
0x12: {  	v9 =	vor.u32 $0x5, v3;
	v10 =	vld.idx.msk [tilespmem:v3+s2+$0x0], $0xffff  }
0x13: {  	v11 =	vor.u32 $0x6, v3;
	v5 =	vld.idx.msk [tilespmem:v5+s2+$0x0], $0xffff  }
0x14: {  	v12 =	vor.u32 $0x7, v3;
	v6 =	vld.idx.msk [tilespmem:v6+s2+$0x0], $0xffff  }
0x15: {  	v13 =	vor.u32 $0x8, v3;
	v7 =	vld.idx.msk [tilespmem:v7+s2+$0x0], $0xffff  }
0x16: {  	v14 =	vor.u32 $0x9, v3;
	v8 =	vld.idx.msk [tilespmem:v8+s2+$0x0], $0xffff  }
0x17: {  	v15 =	vor.u32 $0xA, v3;
	v9 =	vld.idx.msk [tilespmem:v9+s2+$0x0], $0xffff  }
0x18: {  	v16 =	vor.u32 $0xB, v3;
	v11 =	vld.idx.msk [tilespmem:v11+s2+$0x0], $0xffff;
	v17 =	vmax.f32 v10, v5  }
0x19: {  	v18 =	vor.u32 $0xC, v3;
	v12 =	vld.idx.msk [tilespmem:v12+s2+$0x0], $0xffff;
	v17 =	vmax.f32 v17, v6  }
0x1a: {  	v19 =	vor.u32 $0xD, v3;
	v13 =	vld.idx.msk [tilespmem:v13+s2+$0x0], $0xffff;
	v17 =	vmax.f32 v17, v7  }
0x1b: {  	v20 =	vor.u32 $0xE, v3;
	v14 =	vld.idx.msk [tilespmem:v14+s2+$0x0], $0xffff;
	v17 =	vmax.f32 v17, v8  }
0x1c: {  	v21 =	vor.u32 $0xF, v3;
	v15 =	vld.idx.msk [tilespmem:v15+s2+$0x0], $0xffff;
	v17 =	vmax.f32 v17, v9  }
0x1d: {  	v16 =	vld.idx.msk [tilespmem:v16+s2+$0x0], $0xffff;
	v17 =	vmax.f32 v17, v11  }
0x1e: {  	v18 =	vld.idx.msk [tilespmem:v18+s2+$0x0], $0xffff;
	v17 =	vmax.f32 v17, v12  }
0x1f: {  	v19 =	vld.idx.msk [tilespmem:v19+s2+$0x0], $0xffff;
	v17 =	vmax.f32 v17, v13  }
0x20: {  	v20 =	vld.idx.msk [tilespmem:v20+s2+$0x0], $0xffff;
	v17 =	vmax.f32 v17, v14  }
0x21: {  	v21 =	vld.idx.msk [tilespmem:v21+s2+$0x0], $0xffff;
	v17 =	vmax.f32 v17, v15  }
0x22: {  	v17 =	vmax.f32 v17, v16  }
0x23: {  	v17 =	vmax.f32 v17, v18  }
0x24: {  	v17 =	vmax.f32 v17, v19  }
0x25: {  	v17 =	vmax.f32 v17, v20  }
0x26: {  	v17 =	vmax.f32 v17, v21  }
0x27: {  	vm0 =	veq.f32 v21, v17  }
0x28: {  	vm9 =	veq.f32 v20, v17;
	v22 =	vsel vm0, $0xF, v1  }
0x29: {  	vm10 =	veq.f32 v19, v17;
	v22 =	vsel vm9, $0xE, v22  }
0x2a: {  	vm11 =	veq.f32 v18, v17;
	v22 =	vsel vm10, $0xD, v22  }
0x2b: {  	vm12 =	veq.f32 v16, v17;
	v22 =	vsel vm11, $0xC, v22  }
0x2c: {  	vm13 =	veq.f32 v15, v17;
	v22 =	vsel vm12, $0xB, v22  }
0x2d: {  	vm14 =	veq.f32 v14, v17;
	v22 =	vsel vm13, $0xA, v22  }
0x2e: {  	vm1 =	veq.f32 v13, v17;
	v22 =	vsel vm14, $0x9, v22  }
0x2f: {  	vm15 =	veq.f32 v12, v17;
	v22 =	vsel vm1, $0x8, v22  }
0x30: {  	vm4 =	veq.f32 v11, v17;
	v22 =	vsel vm15, $0x7, v22  }
0x31: {  	vm5 =	veq.f32 v9, v17;
	v22 =	vsel vm4, $0x6, v22  }
0x32: {  	vm6 =	veq.f32 v8, v17;
	v22 =	vsel vm5, $0x5, v22  }
0x33: {  	vm7 =	veq.f32 v7, v17;
	v22 =	vsel vm6, $0x4, v22  }
0x34: {  	vm8 =	veq.f32 v6, v17;
	v22 =	vsel vm7, $0x3, v22  }
0x35: {  	vm9 =	veq.f32 v5, v17;
	v22 =	vsel vm8, $0x2, v22  }
0x36: {  	vm10 =	veq.f32 v10, v17;
	v22 =	vsel vm9, $0x1, v22  }
0x37: {  	v22 =	vsel vm10, $0x0, v22  }
0x38: {  	vm11 =	veq.s32 v22, $0x0;
	vm1 =	veq.s32 v22, $0x1  }
0x39: {  	vm2 =	veq.s32 v22, $0x2;
	v10 =	vsel vm11, $0xFF800000, v10;
	v5 =	vsel vm1, $0xFF800000, v5  }
0x3a: {  	vm12 =	veq.s32 v22, $0x3;
	v6 =	vsel vm2, $0xFF800000, v6;
	v23 =	vmax.f32 v10, v5  }
0x3b: {  	vm13 =	veq.s32 v22, $0x4;
	v7 =	vsel vm12, $0xFF800000, v7;
	v23 =	vmax.f32 v23, v6  }
0x3c: {  	vm14 =	veq.s32 v22, $0x5;
	v8 =	vsel vm13, $0xFF800000, v8;
	v23 =	vmax.f32 v23, v7  }
0x3d: {  	vm15 =	veq.s32 v22, $0x6;
	v9 =	vsel vm14, $0xFF800000, v9;
	v23 =	vmax.f32 v23, v8  }
0x3e: {  	vm4 =	veq.s32 v22, $0x7;
	v11 =	vsel vm15, $0xFF800000, v11;
	v23 =	vmax.f32 v23, v9  }
0x3f: {  	vm5 =	veq.s32 v22, $0x8;
	v12 =	vsel vm4, $0xFF800000, v12;
	v23 =	vmax.f32 v23, v11  }
0x40: {  	vm6 =	veq.s32 v22, $0x9;
	v13 =	vsel vm5, $0xFF800000, v13;
	v23 =	vmax.f32 v23, v12  }
0x41: {  	vm7 =	veq.s32 v22, $0xA;
	v14 =	vsel vm6, $0xFF800000, v14;
	v23 =	vmax.f32 v23, v13  }
0x42: {  	vm8 =	veq.s32 v22, $0xB;
	v15 =	vsel vm7, $0xFF800000, v15;
	v23 =	vmax.f32 v23, v14  }
0x43: {  	vm9 =	veq.s32 v22, $0xC;
	v16 =	vsel vm8, $0xFF800000, v16;
	v23 =	vmax.f32 v23, v15  }
0x44: {  	vm10 =	veq.s32 v22, $0xD;
	v18 =	vsel vm9, $0xFF800000, v18;
	v23 =	vmax.f32 v23, v16  }
0x45: {  	vm11 =	veq.s32 v22, $0xE;
	v19 =	vsel vm10, $0xFF800000, v19;
	v23 =	vmax.f32 v23, v18  }
0x46: {  	vm12 =	veq.s32 v22, $0xF;
	v20 =	vsel vm11, $0xFF800000, v20;
	v23 =	vmax.f32 v23, v19  }
0x47: {  	v21 =	vsel vm12, $0xFF800000, v21;
	v23 =	vmax.f32 v23, v20  }
0x48: {  	v23 =	vmax.f32 v23, v21  }
0x49: {  	vm0 =	veq.f32 v21, v23  }
0x4a: {  	v17 =	vsub.f32 v23, v17;
	vm13 =	veq.f32 v20, v23;
	v21 =	vsel vm0, $0xF, v1  }
0x4b: {  	vm14 =	veq.f32 v19, v23;
	v20 =	vsel vm13, $0xE, v21  }
0x4c: {  	vm15 =	veq.f32 v18, v23;
	v17 =	vmul.f32 $1.442695020e+00, v17;
	v19 =	vsel vm14, $0xD, v20  }
0x4d: {  	vm4 =	veq.f32 v16, v23;
	v18 =	vsel vm15, $0xC, v19  }
0x4e: {  	vm5 =	veq.f32 v15, v23;
	(erf) = vpow2.f32 v17;
	v16 =	vsel vm4, $0xB, v18  }
0x4f: {  	vm6 =	veq.f32 v14, v23;
	v15 =	vsel vm5, $0xA, v16  }
0x50: {  	vm7 =	veq.f32 v13, v23;
	v62 =	vsel vm6, $0x9, v15  }
0x51: {  	vm8 =	veq.f32 v12, v23;
	v63 =	vsel vm7, $0x8, v62  }
0x52: {  	vm9 =	veq.f32 v11, v23;
	v11 =	vsel vm8, $0x7, v63  }
0x53: {  	vm10 =	veq.f32 v9, v23;
	v9 =	vsel vm9, $0x6, v11  }
0x54: {  	v4 =	vshll.u32 v4, $0x1;
	vm11 =	veq.f32 v8, v23;
	v8 =	vsel vm10, $0x5, v9  }
0x55: {  	vm12 =	veq.f32 v7, v23;
	v7 =	vsel vm11, $0x4, v8;
	v8 =	vor.u32 $0x1, v4  }
0x56: {  	vm13 =	veq.f32 v6, v23;
	v6 =	vsel vm12, $0x3, v7  }
0x57: {  	vm14 =	veq.f32 v5, v23;
	v9 =	vpop (erf);
	v5 =	vsel vm13, $0x2, v6  }
0x58: {  	vm15 =	veq.f32 v10, v23;
	v6 =	vadd.f32 $1.000000000e+00, v9;
	v5 =	vsel vm14, $0x1, v5  }
0x59: {  	[tilespmem:v4+s8+$0x0] =	vst.idx.msk $0xffff, v22;
	v10 =	vsel vm15, $0x0, v5  }
0x5a: {  	s11 =	simm.s32 $0x1080;
	(erf) = vrcp.f32 v6;
	[tilespmem:v8+s8+$0x0] =	vst.idx.msk $0xffff, v10  }
0x5b: {  	[tilespmem:s11+$0x70] =	vst v2  }
0x5c: {  	[tilespmem:s11+$0x60] =	vst v2  }
0x5d: {  	[tilespmem:s11+$0x50] =	vst v2  }
0x5e: {  	[tilespmem:s11+$0x40] =	vst v2  }
0x5f: {  	[tilespmem:s11+$0x30] =	vst v2  }
0x60: {  	[tilespmem:s11+$0x20] =	vst v2  }
0x61: {  	[tilespmem:s11+$0x10] =	vst v2  }
0x62: {  	[tilespmem:s11+$0x0] =	vst v2  }
0x63: {  	[tilespmem:s11+$0xFFFFFFF0] =	vst v2;
	v7 =	vpop (erf)  }
0x64: {  	s12 =	simm.s32 $0x10;
	s13 =	simm.s32 $0x1080;
	v5 =	vadd.s32 v3, v22;
	v6 =	vadd.s32 v3, v10;
	[tilespmem:s11+$0xFFFFFFE0] =	vst v2;
	v8 =	vmul.f32 v7, v9  }
.LBB2_2:
0x65: {  	p0 =	sne.s32 s12, $0xF0  }
0x66: {  	[tilespmem:s11+$0xFFFFFFD0] =	vst v2;
	s13 =	sadd.s32 $0x100, s13;
	s14 =	smov.u32 s12;
	s12 =	sadd.s32 $0x10, s12  }
0x67: {  	[tilespmem:s11+$0xFFFFFFC0] =	vst v2  }
0x68: {  	v4 =	vor.u32 s14, v0;
	[tilespmem:s11+$0xFFFFFFA0] =	vst v2  }
0x69: {  	v3 =	vshll.u32 v4, $0x4;
	[tilespmem:s11+$0xFFFFFF90] =	vst v2  }
0x6a: {  	v9 =	vor.u32 $0x1, v3;
	v10 =	vor.u32 $0x2, v3;
	v11 =	vor.u32 $0x3, v3;
	[tilespmem:s11+$0xFFFFFFB0] =	vst v2  }
0x6b: {  	v12 =	vor.u32 $0x4, v3;
	v13 =	vor.u32 $0x5, v3;
	v14 =	vor.u32 $0x6, v3;
	[tilespmem:s11+$0xFFFFFF80] =	vst v2;
	s11 =	smov.u32 s13  }
0x6c: {  	v15 =	vor.u32 $0x7, v3;
	v16 =	vor.u32 $0x8, v3;
	v17 =	vor.u32 $0x9, v3;
	[tilespmem:v5+s9+$0x0] =	vst.idx.msk $0xffff, v7  }
0x6d: {  	v18 =	vor.u32 $0xC, v3;
	v5 =	vor.u32 $0xA, v3;
	v7 =	vor.u32 $0xB, v3;
	[tilespmem:v6+s9+$0x0] =	vst.idx.msk $0xffff, v8  }
0x6e: {  	v19 =	vor.u32 $0xE, v3;
	v20 =	vor.u32 $0xF, v3;
	v8 =	vor.u32 $0xD, v3;
	v6 =	vld.idx.msk [tilespmem:v3+s2+$0x0], $0xffff  }
0x6f: {  	v9 =	vld.idx.msk [tilespmem:v9+s2+$0x0], $0xffff  }
0x70: {  	v10 =	vld.idx.msk [tilespmem:v10+s2+$0x0], $0xffff  }
0x71: {  	v11 =	vld.idx.msk [tilespmem:v11+s2+$0x0], $0xffff  }
0x72: {  	v12 =	vld.idx.msk [tilespmem:v12+s2+$0x0], $0xffff  }
0x73: {  	v13 =	vld.idx.msk [tilespmem:v13+s2+$0x0], $0xffff  }
0x74: {  	v14 =	vld.idx.msk [tilespmem:v14+s2+$0x0], $0xffff  }
0x75: {  	v21 =	vmax.f32 v6, v9;
	v15 =	vld.idx.msk [tilespmem:v15+s2+$0x0], $0xffff  }
0x76: {  	v21 =	vmax.f32 v21, v10;
	v16 =	vld.idx.msk [tilespmem:v16+s2+$0x0], $0xffff  }
0x77: {  	v21 =	vmax.f32 v21, v11;
	v17 =	vld.idx.msk [tilespmem:v17+s2+$0x0], $0xffff  }
0x78: {  	v21 =	vmax.f32 v21, v12;
	v5 =	vld.idx.msk [tilespmem:v5+s2+$0x0], $0xffff  }
0x79: {  	v21 =	vmax.f32 v21, v13;
	v7 =	vld.idx.msk [tilespmem:v7+s2+$0x0], $0xffff  }
0x7a: {  	v21 =	vmax.f32 v21, v14;
	v18 =	vld.idx.msk [tilespmem:v18+s2+$0x0], $0xffff  }
0x7b: {  	v21 =	vmax.f32 v21, v15;
	v8 =	vld.idx.msk [tilespmem:v8+s2+$0x0], $0xffff  }
0x7c: {  	v21 =	vmax.f32 v21, v16;
	v19 =	vld.idx.msk [tilespmem:v19+s2+$0x0], $0xffff  }
0x7d: {  	v21 =	vmax.f32 v21, v17;
	v20 =	vld.idx.msk [tilespmem:v20+s2+$0x0], $0xffff  }
0x7e: {  	v21 =	vmax.f32 v21, v5  }
0x7f: {  	v21 =	vmax.f32 v21, v7  }
0x80: {  	v21 =	vmax.f32 v21, v18  }
0x81: {  	v21 =	vmax.f32 v21, v8  }
0x82: {  	v21 =	vmax.f32 v21, v19  }
0x83: {  	v21 =	vmax.f32 v21, v20  }
0x84: {  	vm0 =	veq.f32 v20, v21;
	vm1 =	veq.f32 v16, v21;
	vm2 =	veq.f32 v15, v21  }
0x85: {  	vm3 =	veq.f32 v14, v21;
	v22 =	vsel vm0, $0xF, v1;
	vm0 =	veq.f32 v19, v21  }
0x86: {  	vm4 =	veq.f32 v13, v21;
	v22 =	vsel vm0, $0xE, v22;
	vm0 =	veq.f32 v8, v21  }
0x87: {  	vm5 =	veq.f32 v12, v21;
	v22 =	vsel vm0, $0xD, v22;
	vm0 =	veq.f32 v18, v21  }
0x88: {  	vm6 =	veq.f32 v11, v21;
	v22 =	vsel vm0, $0xC, v22;
	vm0 =	veq.f32 v7, v21  }
0x89: {  	vm7 =	veq.f32 v10, v21;
	v22 =	vsel vm0, $0xB, v22;
	vm0 =	veq.f32 v5, v21  }
0x8a: {  	vm8 =	veq.f32 v9, v21;
	v22 =	vsel vm0, $0xA, v22;
	vm0 =	veq.f32 v17, v21  }
0x8b: {  	v22 =	vsel vm0, $0x9, v22;
	vm0 =	veq.f32 v6, v21  }
0x8c: {  	v22 =	vsel vm1, $0x8, v22  }
0x8d: {  	v22 =	vsel vm2, $0x7, v22  }
0x8e: {  	v22 =	vsel vm3, $0x6, v22  }
0x8f: {  	v22 =	vsel vm4, $0x5, v22  }
0x90: {  	v22 =	vsel vm5, $0x4, v22  }
0x91: {  	v22 =	vsel vm6, $0x3, v22  }
0x92: {  	v22 =	vsel vm7, $0x2, v22  }
0x93: {  	v22 =	vsel vm8, $0x1, v22  }
0x94: {  	v22 =	vsel vm0, $0x0, v22  }
0x95: {  	vm0 =	veq.s32 v22, $0x0;
	vm1 =	veq.s32 v22, $0x1;
	vm2 =	veq.s32 v22, $0x2  }
0x96: {  	v6 =	vsel vm0, $0xFF800000, v6;
	v9 =	vsel vm1, $0xFF800000, v9;
	v10 =	vsel vm2, $0xFF800000, v10  }
0x97: {  	vm0 =	veq.s32 v22, $0x3;
	vm1 =	veq.s32 v22, $0x4;
	v23 =	vmax.f32 v6, v9  }
0x98: {  	v11 =	vsel vm0, $0xFF800000, v11;
	v12 =	vsel vm1, $0xFF800000, v12;
	v23 =	vmax.f32 v23, v10  }
0x99: {  	vm0 =	veq.s32 v22, $0x5;
	vm1 =	veq.s32 v22, $0x6;
	v23 =	vmax.f32 v23, v11  }
0x9a: {  	v13 =	vsel vm0, $0xFF800000, v13;
	v14 =	vsel vm1, $0xFF800000, v14;
	v23 =	vmax.f32 v23, v12  }
0x9b: {  	vm0 =	veq.s32 v22, $0x7;
	vm1 =	veq.s32 v22, $0x8;
	v23 =	vmax.f32 v23, v13  }
0x9c: {  	v15 =	vsel vm0, $0xFF800000, v15;
	v16 =	vsel vm1, $0xFF800000, v16;
	v23 =	vmax.f32 v23, v14  }
0x9d: {  	vm0 =	veq.s32 v22, $0x9;
	vm1 =	veq.s32 v22, $0xA;
	v23 =	vmax.f32 v23, v15  }
0x9e: {  	v17 =	vsel vm0, $0xFF800000, v17;
	vm0 =	veq.s32 v22, $0xB;
	v23 =	vmax.f32 v23, v16  }
0x9f: {  	v24 =	vsel vm1, $0xFF800000, v5;
	vm1 =	veq.s32 v22, $0xC;
	v5 =	vmax.f32 v23, v17  }
0xa0: {  	v7 =	vsel vm0, $0xFF800000, v7;
	vm0 =	veq.s32 v22, $0xD;
	v5 =	vmax.f32 v5, v24  }
0xa1: {  	v18 =	vsel vm1, $0xFF800000, v18;
	vm1 =	veq.s32 v22, $0xE;
	v5 =	vmax.f32 v5, v7  }
0xa2: {  	v8 =	vsel vm0, $0xFF800000, v8;
	vm0 =	veq.s32 v22, $0xF;
	v5 =	vmax.f32 v5, v18  }
0xa3: {  	v19 =	vsel vm1, $0xFF800000, v19;
	v23 =	vmax.f32 v5, v8;
	v5 =	vadd.s32 v3, v22  }
0xa4: {  	v20 =	vsel vm0, $0xFF800000, v20;
	v23 =	vmax.f32 v23, v19  }
0xa5: {  	v23 =	vmax.f32 v23, v20  }
0xa6: {  	vm0 =	veq.f32 v20, v23;
	vm1 =	veq.f32 v16, v23;
	v16 =	vsub.f32 v23, v21  }
0xa7: {  	vm2 =	veq.f32 v15, v23;
	v20 =	vsel vm0, $0xF, v1;
	vm0 =	veq.f32 v19, v23  }
0xa8: {  	v15 =	vsel vm0, $0xE, v20;
	vm0 =	veq.f32 v8, v23;
	v8 =	vmul.f32 $1.442695020e+00, v16  }
0xa9: {  	vm3 =	veq.f32 v14, v23;
	v15 =	vsel vm0, $0xD, v15;
	vm0 =	veq.f32 v18, v23  }
0xaa: {  	v14 =	vsel vm0, $0xC, v15;
	vm0 =	veq.f32 v7, v23;
	(erf) = vpow2.f32 v8  }
0xab: {  	vm4 =	veq.f32 v13, v23;
	v7 =	vsel vm0, $0xB, v14;
	vm0 =	veq.f32 v24, v23  }
0xac: {  	vm5 =	veq.f32 v12, v23;
	v7 =	vsel vm0, $0xA, v7;
	vm0 =	veq.f32 v17, v23  }
0xad: {  	vm6 =	veq.f32 v10, v23;
	v7 =	vsel vm0, $0x9, v7;
	vm0 =	veq.f32 v11, v23  }
0xae: {  	vm7 =	veq.f32 v6, v23;
	v7 =	vsel vm1, $0x8, v7;
	vm1 =	veq.f32 v9, v23  }
0xaf: {  	v6 =	vsel vm2, $0x7, v7  }
0xb0: {  	v6 =	vsel vm3, $0x6, v6  }
0xb1: {  	v4 =	vshll.u32 v4, $0x1;
	v6 =	vsel vm4, $0x5, v6  }
0xb2: {  	v7 =	vor.u32 $0x1, v4;
	v6 =	vsel vm5, $0x4, v6  }
0xb3: {  	v6 =	vsel vm0, $0x3, v6;
	v8 =	vpop (erf)  }
0xb4: {  	v6 =	vsel vm6, $0x2, v6;
	v9 =	vadd.f32 $1.000000000e+00, v8  }
0xb5: {  	v6 =	vsel vm1, $0x1, v6  }
0xb6: {  	v6 =	vsel vm7, $0x0, v6;
	[tilespmem:v4+s8+$0x0] =	vst.idx.msk $0xffff, v22;
	(erf) = vrcp.f32 v9  }
0xb7: {  	[tilespmem:v7+s8+$0x0] =	vst.idx.msk $0xffff, v6;
	v6 =	vadd.s32 v3, v6  }
0xb8: {  	[tilespmem:s13+$0x70] =	vst v2  }
0xb9: {  	[tilespmem:s13+$0x60] =	vst v2  }
0xba: {  	[tilespmem:s13+$0x50] =	vst v2  }
0xbb: {  	[tilespmem:s13+$0x40] =	vst v2  }
0xbc: {  	[tilespmem:s13+$0x30] =	vst v2  }
.Ltmp0:
0xbd: {  	[tilespmem:s13+$0x20] =	vst v2;
	(pc) =	sbr.rel @p0 .LBB2_2-.Ltmp0, $4  }
0xbe: {  	[tilespmem:s13+$0x10] =	vst v2  }
0xbf: {  	[tilespmem:s13+$0x0] =	vst v2;
	v7 =	vpop (erf)  }
0xc0: {  	[tilespmem:s13+$0xFFFFFFF0] =	vst v2;
	v8 =	vmul.f32 v7, v8  }
0xc1: {  	[tilespmem:s13+$0xFFFFFFE0] =	vst v2  }
0xc2: {  	[tilespmem:s11+$0xFFFFFFD0] =	vst v2  }
0xc3: {  	[tilespmem:s11+$0xFFFFFFC0] =	vst v2  }
0xc4: {  	[tilespmem:s11+$0xFFFFFFA0] =	vst v2  }
0xc5: {  	[tilespmem:s11+$0xFFFFFF90] =	vst v2  }
0xc6: {  	[tilespmem:s11+$0xFFFFFFB0] =	vst v2  }
0xc7: {  	[tilespmem:s11+$0xFFFFFF80] =	vst v2  }
0xc8: {  	[tilespmem:v5+s9+$0x0] =	vst.idx.msk $0xffff, v7  }
0xc9: {  	[tilespmem:v6+s9+$0x0] =	vst.idx.msk $0xffff, v8  }
0xca: {  	[hbm4b:s4+s2] =	stream.linear.scatter [tilespmem:s9], [sflag:$0x1], $0x1000, $0x38;
	[tilespmem:$0x2200] =	vst v63  }
0xcb: {  	s10 =	sadd.s32 $0x1, s10;
	_ =	swait.ge [sflag:s7], $0x1000  }
0xcc: {  	p0 =	sne.s32 s10, s6;
	[sflag:s7] =	ssyncset.done $0x0  }
.Ltmp1:
0xcd: {  	[sflag:s7] =	ssyncadd.s32 $0xFFFFF000;
	(pc) =	sbr.rel @p0 .LBB2_1-.Ltmp1, $4  }
0xce: {  	[hbm4b:s5+s2] =	stream.linear.scatter [tilespmem:s8], [sflag:$0x1], $0x200, $0x38;
	[tilespmem:$0x2200] =	vst v63  }
0xcf: {  	_ =	swait.ge [sflag:s7], $0x200  }
0xd0: {  	[sflag:s7] =	ssyncset.done $0x0  }
0xd1: {  	[sflag:s7] =	ssyncadd.s32 $0xFFFFFE00  }
0xd2: {  	_ =	sfence.sel $0x180000  }
0xd3: {  	[bflag:$0x0] =	sbarrier.arrive $0xFFFF  }
0xd4: {  	p0 =	sne.s32 s1, $0x0;
	_ =	strace $0x90000047  }
0xd5: {  	s0 =	sadd.s32 @!p0 $0x100000, s0;
	[bflag:$0x2] =	sbarrier.arrive $0xFFFF  }
0xd6: {  	[sflag:s0] =	ssyncadd.tile.s32 @!p0 $0x1;
	_ =	shalt  }
.Lfunc_end2:
_tile_overlayer_lowered:
.L_overlay_start_2:
0xd7: {  	(tag) =	ssettag $0x2  }
0xd8: {  	s0 =	rddreg [dreg:$0x0];
	s2 =	stileid.u32  }
0xd9: {  	s1 =	rddreg [dreg:$0x1];
	p0 =	sne.s32 s2, $0x0  }
0xda: {  	s3 =	rddreg [dreg:$0x2];
	[bflag:$0x3] =	sbarrier.arrive $0xFFFF;
	s2 =	simm.s32 @!p0 $0x1C01  }
0xdb: {  	[timem:s3], [sflag:s2] =	dma.local @!p0 [hbm:s0], s1  }
0xdc: {  	s0 =	simm.s32 @!p0 $0x1  }
0xdd: {  	_ =	swait.ge @!p0 [sflag:s0], s1  }
0xde: {  	s1 =	ssub.s32 @!p0 $0x0, s1;
	[sflag:s0] =	ssyncset.done @!p0 $0x0  }
0xdf: {  	[sflag:s0] =	ssyncadd.s32 @!p0 s1  }
0xe0: {  	[bflag:$0x3] =	sbarrier.arrive $0xFFFF  }
0xe1: {  	_ =	shalt  }

</sc_bundles>
